<compile_context>
chip_gen: v7x
topology: tpu7x:2x2x1
jax: 0.10.2.dev20260603
libtpu: 0.0.44.dev20260713+nightly
codegen_flags: <defaults>
</compile_context>

<pallas_src>
import functools

import jax
import jax.numpy as jnp
import numpy as np
from jax import lax
from jax.experimental import pallas as pl
from jax.experimental.pallas import tpu as pltpu
from jax.experimental.pallas import tpu_sc as plsc

B = 16384
D = 32
OUTW = 4 * D + 1
N_BUCKETS = 1000
TS_MAX = 1000000000
TS_MEAN = np.float32(TS_MAX / 2.0)
TS_STD = np.float32(TS_MAX / (12.0 ** 0.5))
C_SLOPE = np.float32((N_BUCKETS - 1) / TS_MAX)

_BPAD = 1008
_BUCKETS_HOST = np.full((_BPAD,), np.inf, dtype=np.float32)
_BUCKETS_HOST[:N_BUCKETS] = np.linspace(0.0, float(TS_MAX), num=N_BUCKETS).astype(
    np.float32
)

NC, NS, L = 2, 16, 16
NW = NC * NS
BPW = B // NW
CHUNK = 128
NCH = BPW // CHUNK
GROUPS_PER_CHUNK = CHUNK // L

_mesh = plsc.VectorSubcoreMesh(core_axis_name="c", subcore_axis_name="s")


@functools.partial(
    pl.kernel,
    out_type=jax.ShapeDtypeStruct((B, 4 * D), jnp.float32),
    mesh=_mesh,
    compiler_params=pltpu.CompilerParams(
        needs_layout_passes=False, use_tc_tiling_on_sc=False
    ),
    scratch_types=[
        pltpu.VMEM((NCH, CHUNK), jnp.int32),
        pltpu.VMEM((NCH, CHUNK), jnp.int32),
        pltpu.VMEM((NCH, CHUNK), jnp.int32),
        pltpu.VMEM((NCH, CHUNK), jnp.int32),
        pltpu.VMEM((_BPAD,), jnp.float32),
        pltpu.VMEM((BPW, D), jnp.float32),
        pltpu.VMEM((BPW, D), jnp.float32),
        pltpu.VMEM((BPW, D), jnp.float32),
        pltpu.VMEM((BPW, D), jnp.float32),
        pltpu.SemaphoreType.DMA,
    ],
)
def _sc_features(
    f0_hbm, f1_hbm, f2_hbm, ts_hbm,
    emb0_hbm, emb1_hbm, emb2_hbm, embts_hbm, buckets_hbm,
    out_hbm,
    idx0_v, idx1_v, idx2_v, idxts_v, buckets_v,
    rows0_v, rows1_v, rows2_v, rowsts_v,
    sem,
):
    wid = lax.axis_index("s") * NC + lax.axis_index("c")
    base = wid * BPW

    pltpu.sync_copy(f0_hbm.at[wid], idx0_v)
    pltpu.sync_copy(f1_hbm.at[wid], idx1_v)
    pltpu.sync_copy(f2_hbm.at[wid], idx2_v)
    pltpu.sync_copy(ts_hbm.at[wid], idxts_v)
    pltpu.sync_copy(buckets_hbm, buckets_v)

    def _group(k, carry):
        j = k // GROUPS_PER_CHUNK
        sl = pl.ds((k % GROUPS_PER_CHUNK) * L, L)
        idx0_v[j, sl] = idx0_v[j, sl] + 1
        idx1_v[j, sl] = idx1_v[j, sl] + 1
        idx2_v[j, sl] = idx2_v[j, sl] + 1
        t_f = idxts_v[j, sl].astype(jnp.float32)
        cand = (t_f * C_SLOPE).astype(jnp.int32) + 1
        lo = plsc.load_gather(buckets_v, [cand - 1])
        hi = plsc.load_gather(buckets_v, [cand])
        cand = jnp.where(t_f < lo, cand - 1,
                         jnp.where(t_f >= hi, cand + 1, cand))
        idxts_v[j, sl] = cand
        return carry

    lax.fori_loop(0, NCH * GROUPS_PER_CHUNK, _group, 0)

    copies = []
    for table, idx_v, rows_v in (
        (emb0_hbm, idx0_v, rows0_v),
        (emb1_hbm, idx1_v, rows1_v),
        (emb2_hbm, idx2_v, rows2_v),
        (embts_hbm, idxts_v, rowsts_v),
    ):
        for j in range(NCH):
            copies.append(
                pltpu.async_copy(
                    table.at[idx_v.at[j]],
                    rows_v.at[pl.ds(j * CHUNK, CHUNK)],
                    sem,
                )
            )
    for c in copies:
        c.wait()

    out_block = out_hbm.at[pl.ds(base, BPW)]
    for t, rows_v in enumerate((rows0_v, rows1_v, rows2_v, rowsts_v)):
        pltpu.sync_copy(rows_v, out_block.at[:, pl.ds(t * D, D)])


def _tc_assemble_body(main_ref, ts_ref, out_ref):
    out_ref[:, 0:128] = main_ref[...]
    t_f = ts_ref[...].astype(jnp.float32)
    out_ref[:, 128:129] = (t_f - TS_MEAN) / TS_STD


_TC_BLK = 2048
_tc_assemble = pl.pallas_call(
    _tc_assemble_body,
    grid=(B // _TC_BLK,),
    in_specs=[
        pl.BlockSpec((_TC_BLK, 128), lambda i: (i, 0)),
        pl.BlockSpec((_TC_BLK, 1), lambda i: (i, 0)),
    ],
    out_specs=pl.BlockSpec((_TC_BLK, OUTW), lambda i: (i, 0)),
    out_shape=jax.ShapeDtypeStruct((B, OUTW), jnp.float32),
)


def kernel(f0, f1, f2, timestamp, emb0, emb1, emb2, emb_ts):
    f0r = f0.reshape(NW, NCH, CHUNK)
    f1r = f1.reshape(NW, NCH, CHUNK)
    f2r = f2.reshape(NW, NCH, CHUNK)
    tsr = timestamp.reshape(NW, NCH, CHUNK)
    buckets = jnp.asarray(_BUCKETS_HOST)
    main = _sc_features(f0r, f1r, f2r, tsr, emb0, emb1, emb2, emb_ts, buckets)
    return _tc_assemble(main, timestamp)

# --- scband reference (transcript-rebuilt; emitter-appended) ---
"""Pipeline reference for scband-features-layers-82721070121346 (READ-ONLY COPY).

The authoritative reference and input builder live on the scoring server;
editing this copy changes nothing except your own understanding.
"""

import jax, jax.numpy as jnp
import numpy as np

B = 16384
D = 32
V0, V1, V2 = 1000000, 100000, 1000
N_BUCKETS = 1000
TS_MAX = 1000000000
W0, W1, W2, WTS = 1.0, 1.0, 1.0, 1.0
TS_MEAN = TS_MAX / 2.0
TS_STD = TS_MAX / (12.0 ** 0.5)
BUCKETS = jnp.asarray(np.linspace(0.0, float(TS_MAX), num=N_BUCKETS), dtype=jnp.float32)


def setup_inputs(seed: int = 0) -> dict:
    key = jax.random.key(seed)
    ks = jax.random.split(key, 8)
    return {
        "f0": jax.random.randint(ks[0], (B, 1), 0, V0, dtype=jnp.int32),
        "f1": jax.random.randint(ks[1], (B, 1), 0, V1, dtype=jnp.int32),
        "f2": jax.random.randint(ks[2], (B, 1), 0, V2, dtype=jnp.int32),
        "timestamp": jax.random.randint(ks[3], (B, 1), 0, TS_MAX, dtype=jnp.int32),
        "emb0": jax.random.normal(ks[4], (V0 + 1, D), dtype=jnp.float32) * 0.05,
        "emb1": jax.random.normal(ks[5], (V1 + 1, D), dtype=jnp.float32) * 0.05,
        "emb2": jax.random.normal(ks[6], (V2 + 1, D), dtype=jnp.float32) * 0.05,
        "emb_ts": jax.random.normal(ks[7], (N_BUCKETS + 2, D), dtype=jnp.float32) * 0.05,
    }


def reference(f0, f1, f2, timestamp, emb0, emb1, emb2, emb_ts):
    # CategoricalInteger path: IntegerLookup (identity vocab -> idx+1, 0 is OOV)
    # followed by Embedding + Flatten, scaled by feature weight.
    e0 = jnp.take(emb0, f0[:, 0] + 1, axis=0) * W0
    e1 = jnp.take(emb1, f1[:, 0] + 1, axis=0) * W1
    e2 = jnp.take(emb2, f2[:, 0] + 1, axis=0) * W2
    # CategoricalContinuous path: Discretization + Embedding + Flatten.
    ts_f = timestamp[:, 0].astype(jnp.float32)
    bucket_idx = jnp.digitize(ts_f, BUCKETS)
    e_ts = jnp.take(emb_ts, bucket_idx, axis=0) * WTS
    # extra_layers: adapted Normalization of the raw timestamp, reshaped to (-1, 1)
    extra = ((ts_f - TS_MEAN) / TS_STD).reshape(-1, 1) * WTS
    return jnp.concatenate([e0, e1, e2, e_ts, extra], axis=1)

if __name__ == "__main__":
    import jax
    _d = setup_inputs()
    print(jax.jit(kernel)(*tuple(_d.values())))

</pallas_src>

<mosaic_0001>
#map = affine_map<(d0, d1) -> (0, 0, 0)>
#map1 = affine_map<(d0, d1) -> (0, 0)>
#map2 = affine_map<(d0, d1) -> (0)>
module attributes {stable_mosaic.version = 14 : i64} {
  func.func @_sc_features(%arg0: i32, %arg1: i32, %arg2: memref<32x4x128xi32, #tpu.memory_space<hbm>>, %arg3: memref<32x4x128xi32, #tpu.memory_space<hbm>>, %arg4: memref<32x4x128xi32, #tpu.memory_space<hbm>>, %arg5: memref<32x4x128xi32, #tpu.memory_space<hbm>>, %arg6: memref<1000001x32xf32, #tpu.memory_space<hbm>>, %arg7: memref<100001x32xf32, #tpu.memory_space<hbm>>, %arg8: memref<1001x32xf32, #tpu.memory_space<hbm>>, %arg9: memref<1002x32xf32, #tpu.memory_space<hbm>>, %arg10: memref<1008xf32, #tpu.memory_space<hbm>>, %arg11: memref<16384x128xf32, #tpu.memory_space<hbm>>, %arg12: memref<4x128xi32, #tpu.memory_space<vmem>>, %arg13: memref<4x128xi32, #tpu.memory_space<vmem>>, %arg14: memref<4x128xi32, #tpu.memory_space<vmem>>, %arg15: memref<4x128xi32, #tpu.memory_space<vmem>>, %arg16: memref<1008xf32, #tpu.memory_space<vmem>>, %arg17: memref<512x32xf32, #tpu.memory_space<vmem>>, %arg18: memref<512x32xf32, #tpu.memory_space<vmem>>, %arg19: memref<512x32xf32, #tpu.memory_space<vmem>>, %arg20: memref<512x32xf32, #tpu.memory_space<vmem>>, %arg21: memref<!tpu.dma_semaphore, #tpu.memory_space<semaphore_mem>>) attributes {dimension_semantics = [#tpu.dimension_semantics<core_parallel>, #tpu.dimension_semantics<subcore_parallel>], iteration_bounds = array<i64: 2, 16>, scalar_prefetch = 0 : i64, scratch_operands = 10 : i64, tpu.core_type = #tpu.core_type<sc_vector_subcore>, window_params = [{transform_indices = #map}, {transform_indices = #map}, {transform_indices = #map}, {transform_indices = #map}, {transform_indices = #map1}, {transform_indices = #map1}, {transform_indices = #map1}, {transform_indices = #map1}, {transform_indices = #map2}, {transform_indices = #map1}]} {
    %mul3A = arith.constant 2 : i32
    %mul3A_0 = arith.muli %arg1, %mul3A : i32
    %add3A = arith.addi %mul3A_0, %arg0 : i32
    %mul3A_1 = arith.constant 512 : i32
    %mul3A_2 = arith.muli %add3A, %mul3A_1 : i32
    "tpu.region"() ({
      %run_scoped3A = tpu.sem_alloc : memref<!tpu.dma_semaphore, #tpu.memory_space<semaphore_mem>>
      %dma_start3A_326 = arith.constant 0 : i32
      %dma_start3A_327 = arith.constant 0 : i32
      %dma_start3A_328 = tpu.memref_slice %arg2[%add3A, %dma_start3A_326, %dma_start3A_327] : memref<32x4x128xi32, #tpu.memory_space<hbm>> -> memref<1x4x128xi32, #tpu.memory_space<hbm>>
      %dma_start3A_329 = tpu.memref_squeeze %dma_start3A_328 : memref<1x4x128xi32, #tpu.memory_space<hbm>> -> memref<4x128xi32, #tpu.memory_space<hbm>>
      %dma_start3A_330 = arith.constant 0 : i32
      %dma_start3A_331 = arith.constant 0 : i32
      %dma_start3A_332 = tpu.memref_slice %arg2[%add3A, %dma_start3A_330, %dma_start3A_331] : memref<32x4x128xi32, #tpu.memory_space<hbm>> -> memref<1x4x128xi32, #tpu.memory_space<hbm>>
      %dma_start3A_333 = tpu.memref_squeeze %dma_start3A_332 : memref<1x4x128xi32, #tpu.memory_space<hbm>> -> memref<4x128xi32, #tpu.memory_space<hbm>>
      tpu.enqueue_dma source(%dma_start3A_333 : memref<4x128xi32, #tpu.memory_space<hbm>>) target(%arg12 : memref<4x128xi32, #tpu.memory_space<vmem>>) target_semaphore(%run_scoped3A : memref<!tpu.dma_semaphore, #tpu.memory_space<semaphore_mem>>)
      %dma_wait3A_334 = arith.constant 0 : i32
      %dma_wait3A_335 = arith.constant 0 : i32
      %dma_wait3A_336 = tpu.memref_slice %arg2[%add3A, %dma_wait3A_334, %dma_wait3A_335] : memref<32x4x128xi32, #tpu.memory_space<hbm>> -> memref<1x4x128xi32, #tpu.memory_space<hbm>>
      %dma_wait3A_337 = tpu.memref_squeeze %dma_wait3A_336 : memref<1x4x128xi32, #tpu.memory_space<hbm>> -> memref<4x128xi32, #tpu.memory_space<hbm>>
      %dma_wait3A_338 = arith.constant 0 : i32
      %dma_wait3A_339 = arith.constant 0 : i32
      %dma_wait3A_340 = tpu.memref_slice %arg2[%add3A, %dma_wait3A_338, %dma_wait3A_339] : memref<32x4x128xi32, #tpu.memory_space<hbm>> -> memref<1x4x128xi32, #tpu.memory_space<hbm>>
      %dma_wait3A_341 = tpu.memref_squeeze %dma_wait3A_340 : memref<1x4x128xi32, #tpu.memory_space<hbm>> -> memref<4x128xi32, #tpu.memory_space<hbm>>
      tpu.wait_dma2 semaphore(%run_scoped3A : memref<!tpu.dma_semaphore, #tpu.memory_space<semaphore_mem>>) src(%dma_wait3A_341 : memref<4x128xi32, #tpu.memory_space<hbm>>) dst(%arg12 : memref<4x128xi32, #tpu.memory_space<vmem>>)
      tpu.yield
    }) : () -> ()
    "tpu.region"() ({
      %run_scoped3A = tpu.sem_alloc : memref<!tpu.dma_semaphore, #tpu.memory_space<semaphore_mem>>
      %dma_start3A_326 = arith.constant 0 : i32
      %dma_start3A_327 = arith.constant 0 : i32
      %dma_start3A_328 = tpu.memref_slice %arg3[%add3A, %dma_start3A_326, %dma_start3A_327] : memref<32x4x128xi32, #tpu.memory_space<hbm>> -> memref<1x4x128xi32, #tpu.memory_space<hbm>>
      %dma_start3A_329 = tpu.memref_squeeze %dma_start3A_328 : memref<1x4x128xi32, #tpu.memory_space<hbm>> -> memref<4x128xi32, #tpu.memory_space<hbm>>
      %dma_start3A_330 = arith.constant 0 : i32
      %dma_start3A_331 = arith.constant 0 : i32
      %dma_start3A_332 = tpu.memref_slice %arg3[%add3A, %dma_start3A_330, %dma_start3A_331] : memref<32x4x128xi32, #tpu.memory_space<hbm>> -> memref<1x4x128xi32, #tpu.memory_space<hbm>>
      %dma_start3A_333 = tpu.memref_squeeze %dma_start3A_332 : memref<1x4x128xi32, #tpu.memory_space<hbm>> -> memref<4x128xi32, #tpu.memory_space<hbm>>
      tpu.enqueue_dma source(%dma_start3A_333 : memref<4x128xi32, #tpu.memory_space<hbm>>) target(%arg13 : memref<4x128xi32, #tpu.memory_space<vmem>>) target_semaphore(%run_scoped3A : memref<!tpu.dma_semaphore, #tpu.memory_space<semaphore_mem>>)
      %dma_wait3A_334 = arith.constant 0 : i32
      %dma_wait3A_335 = arith.constant 0 : i32
      %dma_wait3A_336 = tpu.memref_slice %arg3[%add3A, %dma_wait3A_334, %dma_wait3A_335] : memref<32x4x128xi32, #tpu.memory_space<hbm>> -> memref<1x4x128xi32, #tpu.memory_space<hbm>>
      %dma_wait3A_337 = tpu.memref_squeeze %dma_wait3A_336 : memref<1x4x128xi32, #tpu.memory_space<hbm>> -> memref<4x128xi32, #tpu.memory_space<hbm>>
      %dma_wait3A_338 = arith.constant 0 : i32
      %dma_wait3A_339 = arith.constant 0 : i32
      %dma_wait3A_340 = tpu.memref_slice %arg3[%add3A, %dma_wait3A_338, %dma_wait3A_339] : memref<32x4x128xi32, #tpu.memory_space<hbm>> -> memref<1x4x128xi32, #tpu.memory_space<hbm>>
      %dma_wait3A_341 = tpu.memref_squeeze %dma_wait3A_340 : memref<1x4x128xi32, #tpu.memory_space<hbm>> -> memref<4x128xi32, #tpu.memory_space<hbm>>
      tpu.wait_dma2 semaphore(%run_scoped3A : memref<!tpu.dma_semaphore, #tpu.memory_space<semaphore_mem>>) src(%dma_wait3A_341 : memref<4x128xi32, #tpu.memory_space<hbm>>) dst(%arg13 : memref<4x128xi32, #tpu.memory_space<vmem>>)
      tpu.yield
    }) : () -> ()
    "tpu.region"() ({
      %run_scoped3A = tpu.sem_alloc : memref<!tpu.dma_semaphore, #tpu.memory_space<semaphore_mem>>
      %dma_start3A_326 = arith.constant 0 : i32
      %dma_start3A_327 = arith.constant 0 : i32
      %dma_start3A_328 = tpu.memref_slice %arg4[%add3A, %dma_start3A_326, %dma_start3A_327] : memref<32x4x128xi32, #tpu.memory_space<hbm>> -> memref<1x4x128xi32, #tpu.memory_space<hbm>>
      %dma_start3A_329 = tpu.memref_squeeze %dma_start3A_328 : memref<1x4x128xi32, #tpu.memory_space<hbm>> -> memref<4x128xi32, #tpu.memory_space<hbm>>
      %dma_start3A_330 = arith.constant 0 : i32
      %dma_start3A_331 = arith.constant 0 : i32
      %dma_start3A_332 = tpu.memref_slice %arg4[%add3A, %dma_start3A_330, %dma_start3A_331] : memref<32x4x128xi32, #tpu.memory_space<hbm>> -> memref<1x4x128xi32, #tpu.memory_space<hbm>>
      %dma_start3A_333 = tpu.memref_squeeze %dma_start3A_332 : memref<1x4x128xi32, #tpu.memory_space<hbm>> -> memref<4x128xi32, #tpu.memory_space<hbm>>
      tpu.enqueue_dma source(%dma_start3A_333 : memref<4x128xi32, #tpu.memory_space<hbm>>) target(%arg14 : memref<4x128xi32, #tpu.memory_space<vmem>>) target_semaphore(%run_scoped3A : memref<!tpu.dma_semaphore, #tpu.memory_space<semaphore_mem>>)
      %dma_wait3A_334 = arith.constant 0 : i32
      %dma_wait3A_335 = arith.constant 0 : i32
      %dma_wait3A_336 = tpu.memref_slice %arg4[%add3A, %dma_wait3A_334, %dma_wait3A_335] : memref<32x4x128xi32, #tpu.memory_space<hbm>> -> memref<1x4x128xi32, #tpu.memory_space<hbm>>
      %dma_wait3A_337 = tpu.memref_squeeze %dma_wait3A_336 : memref<1x4x128xi32, #tpu.memory_space<hbm>> -> memref<4x128xi32, #tpu.memory_space<hbm>>
      %dma_wait3A_338 = arith.constant 0 : i32
      %dma_wait3A_339 = arith.constant 0 : i32
      %dma_wait3A_340 = tpu.memref_slice %arg4[%add3A, %dma_wait3A_338, %dma_wait3A_339] : memref<32x4x128xi32, #tpu.memory_space<hbm>> -> memref<1x4x128xi32, #tpu.memory_space<hbm>>
      %dma_wait3A_341 = tpu.memref_squeeze %dma_wait3A_340 : memref<1x4x128xi32, #tpu.memory_space<hbm>> -> memref<4x128xi32, #tpu.memory_space<hbm>>
      tpu.wait_dma2 semaphore(%run_scoped3A : memref<!tpu.dma_semaphore, #tpu.memory_space<semaphore_mem>>) src(%dma_wait3A_341 : memref<4x128xi32, #tpu.memory_space<hbm>>) dst(%arg14 : memref<4x128xi32, #tpu.memory_space<vmem>>)
      tpu.yield
    }) : () -> ()
    "tpu.region"() ({
      %run_scoped3A = tpu.sem_alloc : memref<!tpu.dma_semaphore, #tpu.memory_space<semaphore_mem>>
      %dma_start3A_326 = arith.constant 0 : i32
      %dma_start3A_327 = arith.constant 0 : i32
      %dma_start3A_328 = tpu.memref_slice %arg5[%add3A, %dma_start3A_326, %dma_start3A_327] : memref<32x4x128xi32, #tpu.memory_space<hbm>> -> memref<1x4x128xi32, #tpu.memory_space<hbm>>
      %dma_start3A_329 = tpu.memref_squeeze %dma_start3A_328 : memref<1x4x128xi32, #tpu.memory_space<hbm>> -> memref<4x128xi32, #tpu.memory_space<hbm>>
      %dma_start3A_330 = arith.constant 0 : i32
      %dma_start3A_331 = arith.constant 0 : i32
      %dma_start3A_332 = tpu.memref_slice %arg5[%add3A, %dma_start3A_330, %dma_start3A_331] : memref<32x4x128xi32, #tpu.memory_space<hbm>> -> memref<1x4x128xi32, #tpu.memory_space<hbm>>
      %dma_start3A_333 = tpu.memref_squeeze %dma_start3A_332 : memref<1x4x128xi32, #tpu.memory_space<hbm>> -> memref<4x128xi32, #tpu.memory_space<hbm>>
      tpu.enqueue_dma source(%dma_start3A_333 : memref<4x128xi32, #tpu.memory_space<hbm>>) target(%arg15 : memref<4x128xi32, #tpu.memory_space<vmem>>) target_semaphore(%run_scoped3A : memref<!tpu.dma_semaphore, #tpu.memory_space<semaphore_mem>>)
      %dma_wait3A_334 = arith.constant 0 : i32
      %dma_wait3A_335 = arith.constant 0 : i32
      %dma_wait3A_336 = tpu.memref_slice %arg5[%add3A, %dma_wait3A_334, %dma_wait3A_335] : memref<32x4x128xi32, #tpu.memory_space<hbm>> -> memref<1x4x128xi32, #tpu.memory_space<hbm>>
      %dma_wait3A_337 = tpu.memref_squeeze %dma_wait3A_336 : memref<1x4x128xi32, #tpu.memory_space<hbm>> -> memref<4x128xi32, #tpu.memory_space<hbm>>
      %dma_wait3A_338 = arith.constant 0 : i32
      %dma_wait3A_339 = arith.constant 0 : i32
      %dma_wait3A_340 = tpu.memref_slice %arg5[%add3A, %dma_wait3A_338, %dma_wait3A_339] : memref<32x4x128xi32, #tpu.memory_space<hbm>> -> memref<1x4x128xi32, #tpu.memory_space<hbm>>
      %dma_wait3A_341 = tpu.memref_squeeze %dma_wait3A_340 : memref<1x4x128xi32, #tpu.memory_space<hbm>> -> memref<4x128xi32, #tpu.memory_space<hbm>>
      tpu.wait_dma2 semaphore(%run_scoped3A : memref<!tpu.dma_semaphore, #tpu.memory_space<semaphore_mem>>) src(%dma_wait3A_341 : memref<4x128xi32, #tpu.memory_space<hbm>>) dst(%arg15 : memref<4x128xi32, #tpu.memory_space<vmem>>)
      tpu.yield
    }) : () -> ()
    "tpu.region"() ({
      %run_scoped3A = tpu.sem_alloc : memref<!tpu.dma_semaphore, #tpu.memory_space<semaphore_mem>>
      tpu.enqueue_dma source(%arg10 : memref<1008xf32, #tpu.memory_space<hbm>>) target(%arg16 : memref<1008xf32, #tpu.memory_space<vmem>>) target_semaphore(%run_scoped3A : memref<!tpu.dma_semaphore, #tpu.memory_space<semaphore_mem>>)
      tpu.wait_dma2 semaphore(%run_scoped3A : memref<!tpu.dma_semaphore, #tpu.memory_space<semaphore_mem>>) src(%arg10 : memref<1008xf32, #tpu.memory_space<hbm>>) dst(%arg16 : memref<1008xf32, #tpu.memory_space<vmem>>)
      tpu.yield
    }) : () -> ()
    %scan3A = arith.constant 0 : i32
    %scan3A_3 = arith.constant 0 : i32
    %scan3A_4 = arith.constant 32 : i32
    %scan3A_5 = arith.addi %scan3A_3, %scan3A_4 : i32
    %scan3A_6 = arith.constant 1 : i32
    scf.for %scan3A_326 = %scan3A_3 to %scan3A_5 step %scan3A_6  : i32 {
      %jit3A = arith.constant 8 : i32
      %div3A = arith.divsi %scan3A_326, %jit3A : i32
      %sign3A = arith.constant 0 : i32
      %sign3A_327 = arith.cmpi sgt, %scan3A_326, %sign3A : i32
      %sign3A_328 = arith.extui %sign3A_327 : i1 to i32
      %sign3A_329 = arith.constant 0 : i32
      %sign3A_330 = arith.cmpi slt, %scan3A_326, %sign3A_329 : i32
      %sign3A_331 = arith.extui %sign3A_330 : i1 to i32
      %sign3A_332 = arith.subi %sign3A_328, %sign3A_331 : i32
      %sign3A_333 = arith.constant 0 : i32
      %sign3A_334 = arith.cmpi sgt, %jit3A, %sign3A_333 : i32
      %sign3A_335 = arith.extui %sign3A_334 : i1 to i32
      %sign3A_336 = arith.constant 0 : i32
      %sign3A_337 = arith.cmpi slt, %jit3A, %sign3A_336 : i32
      %sign3A_338 = arith.extui %sign3A_337 : i1 to i32
      %sign3A_339 = arith.subi %sign3A_335, %sign3A_338 : i32
      %ne3A = arith.cmpi ne, %sign3A_332, %sign3A_339 : i32
      %rem3A = arith.remsi %scan3A_326, %jit3A : i32
      %ne3A_340 = arith.constant 0 : i32
      %ne3A_341 = arith.cmpi ne, %rem3A, %ne3A_340 : i32
      %and3A = arith.andi %ne3A, %ne3A_341 : i1
      %sub3A = arith.constant 1 : i32
      %sub3A_342 = arith.subi %div3A, %sub3A : i32
      %select_n3A = arith.select %and3A, %sub3A_342, %div3A : i32
      %jit3A_343 = arith.constant 8 : i32
      %eq3A = arith.constant 0 : i32
      %eq3A_344 = arith.cmpi eq, %jit3A_343, %eq3A : i32
      %jit3A_345 = arith.constant 1 : i32
      %select_n3A_346 = arith.select %eq3A_344, %jit3A_345, %jit3A_343 : i32
      %rem3A_347 = arith.remsi %scan3A_326, %select_n3A_346 : i32
      %ne3A_348 = arith.constant 0 : i32
      %ne3A_349 = arith.cmpi ne, %rem3A_347, %ne3A_348 : i32
      %lt3A = arith.constant 0 : i32
      %lt3A_350 = arith.cmpi slt, %rem3A_347, %lt3A : i32
      %lt3A_351 = arith.constant 0 : i32
      %lt3A_352 = arith.cmpi slt, %select_n3A_346, %lt3A_351 : i32
      %ne3A_353 = arith.xori %lt3A_350, %lt3A_352 : i1
      %and3A_354 = arith.andi %ne3A_353, %ne3A_349 : i1
      %add3A_355 = arith.addi %rem3A_347, %select_n3A_346 : i32
      %select_n3A_356 = arith.select %and3A_354, %add3A_355, %rem3A_347 : i32
      %mul3A_357 = arith.constant 16 : i32
      %mul3A_358 = arith.muli %select_n3A_356, %mul3A_357 : i32
      %get3A = arith.index_cast %select_n3A : i32 to index
      %get3A_359 = arith.index_cast %mul3A_358 : i32 to index
      %get3A_360 = tpu.vector_load %arg12[%get3A, %get3A_359] {strides = array<i32>} : memref<4x128xi32, #tpu.memory_space<vmem>>, vector<16xi32>,
      %add3A_361 = arith.constant 1 : i32
      %add3A_362 = vector.broadcast %add3A_361 : i32 to vector<16xi32>
      %add3A_363 = arith.addi %get3A_360, %add3A_362 : vector<16xi32>
      %swap3A = arith.index_cast %select_n3A : i32 to index
      %swap3A_364 = arith.index_cast %mul3A_358 : i32 to index
      %swap3A_365 = tpu.vector_load %arg12[%swap3A, %swap3A_364] {strides = array<i32>} : memref<4x128xi32, #tpu.memory_space<vmem>>, vector<16xi32>,
      tpu.vector_store %arg12[%swap3A, %swap3A_364], %add3A_363 {strides = array<i32>} : memref<4x128xi32, #tpu.memory_space<vmem>>, vector<16xi32>,
      %get3A_366 = arith.index_cast %select_n3A : i32 to index
      %get3A_367 = arith.index_cast %mul3A_358 : i32 to index
      %get3A_368 = tpu.vector_load %arg13[%get3A_366, %get3A_367] {strides = array<i32>} : memref<4x128xi32, #tpu.memory_space<vmem>>, vector<16xi32>,
      %add3A_369 = arith.constant 1 : i32
      %add3A_370 = vector.broadcast %add3A_369 : i32 to vector<16xi32>
      %add3A_371 = arith.addi %get3A_368, %add3A_370 : vector<16xi32>
      %swap3A_372 = arith.index_cast %select_n3A : i32 to index
      %swap3A_373 = arith.index_cast %mul3A_358 : i32 to index
      %swap3A_374 = tpu.vector_load %arg13[%swap3A_372, %swap3A_373] {strides = array<i32>} : memref<4x128xi32, #tpu.memory_space<vmem>>, vector<16xi32>,
      tpu.vector_store %arg13[%swap3A_372, %swap3A_373], %add3A_371 {strides = array<i32>} : memref<4x128xi32, #tpu.memory_space<vmem>>, vector<16xi32>,
      %get3A_375 = arith.index_cast %select_n3A : i32 to index
      %get3A_376 = arith.index_cast %mul3A_358 : i32 to index
      %get3A_377 = tpu.vector_load %arg14[%get3A_375, %get3A_376] {strides = array<i32>} : memref<4x128xi32, #tpu.memory_space<vmem>>, vector<16xi32>,
      %add3A_378 = arith.constant 1 : i32
      %add3A_379 = vector.broadcast %add3A_378 : i32 to vector<16xi32>
      %add3A_380 = arith.addi %get3A_377, %add3A_379 : vector<16xi32>
      %swap3A_381 = arith.index_cast %select_n3A : i32 to index
      %swap3A_382 = arith.index_cast %mul3A_358 : i32 to index
      %swap3A_383 = tpu.vector_load %arg14[%swap3A_381, %swap3A_382] {strides = array<i32>} : memref<4x128xi32, #tpu.memory_space<vmem>>, vector<16xi32>,
      tpu.vector_store %arg14[%swap3A_381, %swap3A_382], %add3A_380 {strides = array<i32>} : memref<4x128xi32, #tpu.memory_space<vmem>>, vector<16xi32>,
      %get3A_384 = arith.index_cast %select_n3A : i32 to index
      %get3A_385 = arith.index_cast %mul3A_358 : i32 to index
      %get3A_386 = tpu.vector_load %arg15[%get3A_384, %get3A_385] {strides = array<i32>} : memref<4x128xi32, #tpu.memory_space<vmem>>, vector<16xi32>,
      %convert_element_type3A = arith.sitofp %get3A_386 : vector<16xi32> to vector<16xf32>
      %mul3A_387 = arith.constant 9.990000e-07 : f32
      %mul3A_388 = vector.broadcast %mul3A_387 : f32 to vector<16xf32>
      %mul3A_389 = arith.mulf %convert_element_type3A, %mul3A_388 : vector<16xf32>
      %convert_element_type3A_390 = arith.fptosi %mul3A_389 : vector<16xf32> to vector<16xi32>
      %add3A_391 = arith.constant 1 : i32
      %add3A_392 = vector.broadcast %add3A_391 : i32 to vector<16xi32>
      %add3A_393 = arith.addi %convert_element_type3A_390, %add3A_392 : vector<16xi32>
      %sub3A_394 = arith.constant 1 : i32
      %sub3A_395 = vector.broadcast %sub3A_394 : i32 to vector<16xi32>
      %sub3A_396 = arith.subi %add3A_393, %sub3A_395 : vector<16xi32>
      %gather3A = tpu.vector_load_idx %arg16[%sub3A_396] : memref<1008xf32, #tpu.memory_space<vmem>>[vector<16xi32>], vector<16xf32>,
      %gather3A_397 = tpu.vector_load_idx %arg16[%add3A_393] : memref<1008xf32, #tpu.memory_space<vmem>>[vector<16xi32>], vector<16xf32>,
      %lt3A_398 = arith.cmpf olt, %convert_element_type3A, %gather3A : vector<16xf32>
      %sub3A_399 = arith.constant 1 : i32
      %sub3A_400 = vector.broadcast %sub3A_399 : i32 to vector<16xi32>
      %sub3A_401 = arith.subi %add3A_393, %sub3A_400 : vector<16xi32>
      %ge3A = arith.cmpf oge, %convert_element_type3A, %gather3A_397 : vector<16xf32>
      %add3A_402 = arith.constant 1 : i32
      %add3A_403 = vector.broadcast %add3A_402 : i32 to vector<16xi32>
      %add3A_404 = arith.addi %add3A_393, %add3A_403 : vector<16xi32>
      %select_n3A_405 = arith.select %ge3A, %add3A_404, %add3A_393 : vector<16xi1>, vector<16xi32>
      %select_n3A_406 = arith.select %lt3A_398, %sub3A_401, %select_n3A_405 : vector<16xi1>, vector<16xi32>
      %swap3A_407 = arith.index_cast %select_n3A : i32 to index
      %swap3A_408 = arith.index_cast %mul3A_358 : i32 to index
      %swap3A_409 = tpu.vector_load %arg15[%swap3A_407, %swap3A_408] {strides = array<i32>} : memref<4x128xi32, #tpu.memory_space<vmem>>, vector<16xi32>,
      tpu.vector_store %arg15[%swap3A_407, %swap3A_408], %select_n3A_406 {strides = array<i32>} : memref<4x128xi32, #tpu.memory_space<vmem>>, vector<16xi32>,
    }
    %scan3A_7 = arith.constant 32 : i32
    %dma_start3A = arith.constant 0 : i32
    %dma_start3A_8 = arith.constant 0 : i32
    %dma_start3A_9 = arith.constant 0 : i32
    %dma_start3A_10 = tpu.memref_slice %arg17[%dma_start3A_8, %dma_start3A_9] : memref<512x32xf32, #tpu.memory_space<vmem>> -> memref<128x32xf32, #tpu.memory_space<vmem>>
    %dma_start3A_11 = arith.constant 0 : i32
    %dma_start3A_12 = tpu.memref_slice %arg12[%dma_start3A, %dma_start3A_11] : memref<4x128xi32, #tpu.memory_space<vmem>> -> memref<1x128xi32, #tpu.memory_space<vmem>>
    %dma_start3A_13 = tpu.memref_squeeze %dma_start3A_12 : memref<1x128xi32, #tpu.memory_space<vmem>> -> memref<128xi32, #tpu.memory_space<vmem>>
    %dma_start3A_14 = arith.constant 0 : i32
    %dma_start3A_15 = arith.constant 0 : i32
    %dma_start3A_16 = tpu.memref_slice %arg6[%dma_start3A_14, %dma_start3A_15] : memref<1000001x32xf32, #tpu.memory_space<hbm>> -> memref<1000001x32xf32, #tpu.memory_space<hbm>>
    tpu.enqueue_indirect_dma source(%dma_start3A_16 : memref<1000001x32xf32, #tpu.memory_space<hbm>>) target(%dma_start3A_10 : memref<128x32xf32, #tpu.memory_space<vmem>>) offsets(%dma_start3A_13 : memref<128xi32, #tpu.memory_space<vmem>>) semaphore(%arg21 : memref<!tpu.dma_semaphore, #tpu.memory_space<semaphore_mem>>)
    %dma_start3A_17 = arith.constant 1 : i32
    %dma_start3A_18 = arith.constant 128 : i32
    %dma_start3A_19 = arith.constant 0 : i32
    %dma_start3A_20 = tpu.memref_slice %arg17[%dma_start3A_18, %dma_start3A_19] : memref<512x32xf32, #tpu.memory_space<vmem>> -> memref<128x32xf32, #tpu.memory_space<vmem>>
    %dma_start3A_21 = arith.constant 0 : i32
    %dma_start3A_22 = tpu.memref_slice %arg12[%dma_start3A_17, %dma_start3A_21] : memref<4x128xi32, #tpu.memory_space<vmem>> -> memref<1x128xi32, #tpu.memory_space<vmem>>
    %dma_start3A_23 = tpu.memref_squeeze %dma_start3A_22 : memref<1x128xi32, #tpu.memory_space<vmem>> -> memref<128xi32, #tpu.memory_space<vmem>>
    %dma_start3A_24 = arith.constant 0 : i32
    %dma_start3A_25 = arith.constant 0 : i32
    %dma_start3A_26 = tpu.memref_slice %arg6[%dma_start3A_24, %dma_start3A_25] : memref<1000001x32xf32, #tpu.memory_space<hbm>> -> memref<1000001x32xf32, #tpu.memory_space<hbm>>
    tpu.enqueue_indirect_dma source(%dma_start3A_26 : memref<1000001x32xf32, #tpu.memory_space<hbm>>) target(%dma_start3A_20 : memref<128x32xf32, #tpu.memory_space<vmem>>) offsets(%dma_start3A_23 : memref<128xi32, #tpu.memory_space<vmem>>) semaphore(%arg21 : memref<!tpu.dma_semaphore, #tpu.memory_space<semaphore_mem>>)
    %dma_start3A_27 = arith.constant 2 : i32
    %dma_start3A_28 = arith.constant 256 : i32
    %dma_start3A_29 = arith.constant 0 : i32
    %dma_start3A_30 = tpu.memref_slice %arg17[%dma_start3A_28, %dma_start3A_29] : memref<512x32xf32, #tpu.memory_space<vmem>> -> memref<128x32xf32, #tpu.memory_space<vmem>>
    %dma_start3A_31 = arith.constant 0 : i32
    %dma_start3A_32 = tpu.memref_slice %arg12[%dma_start3A_27, %dma_start3A_31] : memref<4x128xi32, #tpu.memory_space<vmem>> -> memref<1x128xi32, #tpu.memory_space<vmem>>
    %dma_start3A_33 = tpu.memref_squeeze %dma_start3A_32 : memref<1x128xi32, #tpu.memory_space<vmem>> -> memref<128xi32, #tpu.memory_space<vmem>>
    %dma_start3A_34 = arith.constant 0 : i32
    %dma_start3A_35 = arith.constant 0 : i32
    %dma_start3A_36 = tpu.memref_slice %arg6[%dma_start3A_34, %dma_start3A_35] : memref<1000001x32xf32, #tpu.memory_space<hbm>> -> memref<1000001x32xf32, #tpu.memory_space<hbm>>
    tpu.enqueue_indirect_dma source(%dma_start3A_36 : memref<1000001x32xf32, #tpu.memory_space<hbm>>) target(%dma_start3A_30 : memref<128x32xf32, #tpu.memory_space<vmem>>) offsets(%dma_start3A_33 : memref<128xi32, #tpu.memory_space<vmem>>) semaphore(%arg21 : memref<!tpu.dma_semaphore, #tpu.memory_space<semaphore_mem>>)
    %dma_start3A_37 = arith.constant 3 : i32
    %dma_start3A_38 = arith.constant 384 : i32
    %dma_start3A_39 = arith.constant 0 : i32
    %dma_start3A_40 = tpu.memref_slice %arg17[%dma_start3A_38, %dma_start3A_39] : memref<512x32xf32, #tpu.memory_space<vmem>> -> memref<128x32xf32, #tpu.memory_space<vmem>>
    %dma_start3A_41 = arith.constant 0 : i32
    %dma_start3A_42 = tpu.memref_slice %arg12[%dma_start3A_37, %dma_start3A_41] : memref<4x128xi32, #tpu.memory_space<vmem>> -> memref<1x128xi32, #tpu.memory_space<vmem>>
    %dma_start3A_43 = tpu.memref_squeeze %dma_start3A_42 : memref<1x128xi32, #tpu.memory_space<vmem>> -> memref<128xi32, #tpu.memory_space<vmem>>
    %dma_start3A_44 = arith.constant 0 : i32
    %dma_start3A_45 = arith.constant 0 : i32
    %dma_start3A_46 = tpu.memref_slice %arg6[%dma_start3A_44, %dma_start3A_45] : memref<1000001x32xf32, #tpu.memory_space<hbm>> -> memref<1000001x32xf32, #tpu.memory_space<hbm>>
    tpu.enqueue_indirect_dma source(%dma_start3A_46 : memref<1000001x32xf32, #tpu.memory_space<hbm>>) target(%dma_start3A_40 : memref<128x32xf32, #tpu.memory_space<vmem>>) offsets(%dma_start3A_43 : memref<128xi32, #tpu.memory_space<vmem>>) semaphore(%arg21 : memref<!tpu.dma_semaphore, #tpu.memory_space<semaphore_mem>>)
    %dma_start3A_47 = arith.constant 0 : i32
    %dma_start3A_48 = arith.constant 0 : i32
    %dma_start3A_49 = arith.constant 0 : i32
    %dma_start3A_50 = tpu.memref_slice %arg18[%dma_start3A_48, %dma_start3A_49] : memref<512x32xf32, #tpu.memory_space<vmem>> -> memref<128x32xf32, #tpu.memory_space<vmem>>
    %dma_start3A_51 = arith.constant 0 : i32
    %dma_start3A_52 = tpu.memref_slice %arg13[%dma_start3A_47, %dma_start3A_51] : memref<4x128xi32, #tpu.memory_space<vmem>> -> memref<1x128xi32, #tpu.memory_space<vmem>>
    %dma_start3A_53 = tpu.memref_squeeze %dma_start3A_52 : memref<1x128xi32, #tpu.memory_space<vmem>> -> memref<128xi32, #tpu.memory_space<vmem>>
    %dma_start3A_54 = arith.constant 0 : i32
    %dma_start3A_55 = arith.constant 0 : i32
    %dma_start3A_56 = tpu.memref_slice %arg7[%dma_start3A_54, %dma_start3A_55] : memref<100001x32xf32, #tpu.memory_space<hbm>> -> memref<100001x32xf32, #tpu.memory_space<hbm>>
    tpu.enqueue_indirect_dma source(%dma_start3A_56 : memref<100001x32xf32, #tpu.memory_space<hbm>>) target(%dma_start3A_50 : memref<128x32xf32, #tpu.memory_space<vmem>>) offsets(%dma_start3A_53 : memref<128xi32, #tpu.memory_space<vmem>>) semaphore(%arg21 : memref<!tpu.dma_semaphore, #tpu.memory_space<semaphore_mem>>)
    %dma_start3A_57 = arith.constant 1 : i32
    %dma_start3A_58 = arith.constant 128 : i32
    %dma_start3A_59 = arith.constant 0 : i32
    %dma_start3A_60 = tpu.memref_slice %arg18[%dma_start3A_58, %dma_start3A_59] : memref<512x32xf32, #tpu.memory_space<vmem>> -> memref<128x32xf32, #tpu.memory_space<vmem>>
    %dma_start3A_61 = arith.constant 0 : i32
    %dma_start3A_62 = tpu.memref_slice %arg13[%dma_start3A_57, %dma_start3A_61] : memref<4x128xi32, #tpu.memory_space<vmem>> -> memref<1x128xi32, #tpu.memory_space<vmem>>
    %dma_start3A_63 = tpu.memref_squeeze %dma_start3A_62 : memref<1x128xi32, #tpu.memory_space<vmem>> -> memref<128xi32, #tpu.memory_space<vmem>>
    %dma_start3A_64 = arith.constant 0 : i32
    %dma_start3A_65 = arith.constant 0 : i32
    %dma_start3A_66 = tpu.memref_slice %arg7[%dma_start3A_64, %dma_start3A_65] : memref<100001x32xf32, #tpu.memory_space<hbm>> -> memref<100001x32xf32, #tpu.memory_space<hbm>>
    tpu.enqueue_indirect_dma source(%dma_start3A_66 : memref<100001x32xf32, #tpu.memory_space<hbm>>) target(%dma_start3A_60 : memref<128x32xf32, #tpu.memory_space<vmem>>) offsets(%dma_start3A_63 : memref<128xi32, #tpu.memory_space<vmem>>) semaphore(%arg21 : memref<!tpu.dma_semaphore, #tpu.memory_space<semaphore_mem>>)
    %dma_start3A_67 = arith.constant 2 : i32
    %dma_start3A_68 = arith.constant 256 : i32
    %dma_start3A_69 = arith.constant 0 : i32
    %dma_start3A_70 = tpu.memref_slice %arg18[%dma_start3A_68, %dma_start3A_69] : memref<512x32xf32, #tpu.memory_space<vmem>> -> memref<128x32xf32, #tpu.memory_space<vmem>>
    %dma_start3A_71 = arith.constant 0 : i32
    %dma_start3A_72 = tpu.memref_slice %arg13[%dma_start3A_67, %dma_start3A_71] : memref<4x128xi32, #tpu.memory_space<vmem>> -> memref<1x128xi32, #tpu.memory_space<vmem>>
    %dma_start3A_73 = tpu.memref_squeeze %dma_start3A_72 : memref<1x128xi32, #tpu.memory_space<vmem>> -> memref<128xi32, #tpu.memory_space<vmem>>
    %dma_start3A_74 = arith.constant 0 : i32
    %dma_start3A_75 = arith.constant 0 : i32
    %dma_start3A_76 = tpu.memref_slice %arg7[%dma_start3A_74, %dma_start3A_75] : memref<100001x32xf32, #tpu.memory_space<hbm>> -> memref<100001x32xf32, #tpu.memory_space<hbm>>
    tpu.enqueue_indirect_dma source(%dma_start3A_76 : memref<100001x32xf32, #tpu.memory_space<hbm>>) target(%dma_start3A_70 : memref<128x32xf32, #tpu.memory_space<vmem>>) offsets(%dma_start3A_73 : memref<128xi32, #tpu.memory_space<vmem>>) semaphore(%arg21 : memref<!tpu.dma_semaphore, #tpu.memory_space<semaphore_mem>>)
    %dma_start3A_77 = arith.constant 3 : i32
    %dma_start3A_78 = arith.constant 384 : i32
    %dma_start3A_79 = arith.constant 0 : i32
    %dma_start3A_80 = tpu.memref_slice %arg18[%dma_start3A_78, %dma_start3A_79] : memref<512x32xf32, #tpu.memory_space<vmem>> -> memref<128x32xf32, #tpu.memory_space<vmem>>
    %dma_start3A_81 = arith.constant 0 : i32
    %dma_start3A_82 = tpu.memref_slice %arg13[%dma_start3A_77, %dma_start3A_81] : memref<4x128xi32, #tpu.memory_space<vmem>> -> memref<1x128xi32, #tpu.memory_space<vmem>>
    %dma_start3A_83 = tpu.memref_squeeze %dma_start3A_82 : memref<1x128xi32, #tpu.memory_space<vmem>> -> memref<128xi32, #tpu.memory_space<vmem>>
    %dma_start3A_84 = arith.constant 0 : i32
    %dma_start3A_85 = arith.constant 0 : i32
    %dma_start3A_86 = tpu.memref_slice %arg7[%dma_start3A_84, %dma_start3A_85] : memref<100001x32xf32, #tpu.memory_space<hbm>> -> memref<100001x32xf32, #tpu.memory_space<hbm>>
    tpu.enqueue_indirect_dma source(%dma_start3A_86 : memref<100001x32xf32, #tpu.memory_space<hbm>>) target(%dma_start3A_80 : memref<128x32xf32, #tpu.memory_space<vmem>>) offsets(%dma_start3A_83 : memref<128xi32, #tpu.memory_space<vmem>>) semaphore(%arg21 : memref<!tpu.dma_semaphore, #tpu.memory_space<semaphore_mem>>)
    %dma_start3A_87 = arith.constant 0 : i32
    %dma_start3A_88 = arith.constant 0 : i32
    %dma_start3A_89 = arith.constant 0 : i32
    %dma_start3A_90 = tpu.memref_slice %arg19[%dma_start3A_88, %dma_start3A_89] : memref<512x32xf32, #tpu.memory_space<vmem>> -> memref<128x32xf32, #tpu.memory_space<vmem>>
    %dma_start3A_91 = arith.constant 0 : i32
    %dma_start3A_92 = tpu.memref_slice %arg14[%dma_start3A_87, %dma_start3A_91] : memref<4x128xi32, #tpu.memory_space<vmem>> -> memref<1x128xi32, #tpu.memory_space<vmem>>
    %dma_start3A_93 = tpu.memref_squeeze %dma_start3A_92 : memref<1x128xi32, #tpu.memory_space<vmem>> -> memref<128xi32, #tpu.memory_space<vmem>>
    %dma_start3A_94 = arith.constant 0 : i32
    %dma_start3A_95 = arith.constant 0 : i32
    %dma_start3A_96 = tpu.memref_slice %arg8[%dma_start3A_94, %dma_start3A_95] : memref<1001x32xf32, #tpu.memory_space<hbm>> -> memref<1001x32xf32, #tpu.memory_space<hbm>>
    tpu.enqueue_indirect_dma source(%dma_start3A_96 : memref<1001x32xf32, #tpu.memory_space<hbm>>) target(%dma_start3A_90 : memref<128x32xf32, #tpu.memory_space<vmem>>) offsets(%dma_start3A_93 : memref<128xi32, #tpu.memory_space<vmem>>) semaphore(%arg21 : memref<!tpu.dma_semaphore, #tpu.memory_space<semaphore_mem>>)
    %dma_start3A_97 = arith.constant 1 : i32
    %dma_start3A_98 = arith.constant 128 : i32
    %dma_start3A_99 = arith.constant 0 : i32
    %dma_start3A_100 = tpu.memref_slice %arg19[%dma_start3A_98, %dma_start3A_99] : memref<512x32xf32, #tpu.memory_space<vmem>> -> memref<128x32xf32, #tpu.memory_space<vmem>>
    %dma_start3A_101 = arith.constant 0 : i32
    %dma_start3A_102 = tpu.memref_slice %arg14[%dma_start3A_97, %dma_start3A_101] : memref<4x128xi32, #tpu.memory_space<vmem>> -> memref<1x128xi32, #tpu.memory_space<vmem>>
    %dma_start3A_103 = tpu.memref_squeeze %dma_start3A_102 : memref<1x128xi32, #tpu.memory_space<vmem>> -> memref<128xi32, #tpu.memory_space<vmem>>
    %dma_start3A_104 = arith.constant 0 : i32
    %dma_start3A_105 = arith.constant 0 : i32
    %dma_start3A_106 = tpu.memref_slice %arg8[%dma_start3A_104, %dma_start3A_105] : memref<1001x32xf32, #tpu.memory_space<hbm>> -> memref<1001x32xf32, #tpu.memory_space<hbm>>
    tpu.enqueue_indirect_dma source(%dma_start3A_106 : memref<1001x32xf32, #tpu.memory_space<hbm>>) target(%dma_start3A_100 : memref<128x32xf32, #tpu.memory_space<vmem>>) offsets(%dma_start3A_103 : memref<128xi32, #tpu.memory_space<vmem>>) semaphore(%arg21 : memref<!tpu.dma_semaphore, #tpu.memory_space<semaphore_mem>>)
    %dma_start3A_107 = arith.constant 2 : i32
    %dma_start3A_108 = arith.constant 256 : i32
    %dma_start3A_109 = arith.constant 0 : i32
    %dma_start3A_110 = tpu.memref_slice %arg19[%dma_start3A_108, %dma_start3A_109] : memref<512x32xf32, #tpu.memory_space<vmem>> -> memref<128x32xf32, #tpu.memory_space<vmem>>
    %dma_start3A_111 = arith.constant 0 : i32
    %dma_start3A_112 = tpu.memref_slice %arg14[%dma_start3A_107, %dma_start3A_111] : memref<4x128xi32, #tpu.memory_space<vmem>> -> memref<1x128xi32, #tpu.memory_space<vmem>>
    %dma_start3A_113 = tpu.memref_squeeze %dma_start3A_112 : memref<1x128xi32, #tpu.memory_space<vmem>> -> memref<128xi32, #tpu.memory_space<vmem>>
    %dma_start3A_114 = arith.constant 0 : i32
    %dma_start3A_115 = arith.constant 0 : i32
    %dma_start3A_116 = tpu.memref_slice %arg8[%dma_start3A_114, %dma_start3A_115] : memref<1001x32xf32, #tpu.memory_space<hbm>> -> memref<1001x32xf32, #tpu.memory_space<hbm>>
    tpu.enqueue_indirect_dma source(%dma_start3A_116 : memref<1001x32xf32, #tpu.memory_space<hbm>>) target(%dma_start3A_110 : memref<128x32xf32, #tpu.memory_space<vmem>>) offsets(%dma_start3A_113 : memref<128xi32, #tpu.memory_space<vmem>>) semaphore(%arg21 : memref<!tpu.dma_semaphore, #tpu.memory_space<semaphore_mem>>)
    %dma_start3A_117 = arith.constant 3 : i32
    %dma_start3A_118 = arith.constant 384 : i32
    %dma_start3A_119 = arith.constant 0 : i32
    %dma_start3A_120 = tpu.memref_slice %arg19[%dma_start3A_118, %dma_start3A_119] : memref<512x32xf32, #tpu.memory_space<vmem>> -> memref<128x32xf32, #tpu.memory_space<vmem>>
    %dma_start3A_121 = arith.constant 0 : i32
    %dma_start3A_122 = tpu.memref_slice %arg14[%dma_start3A_117, %dma_start3A_121] : memref<4x128xi32, #tpu.memory_space<vmem>> -> memref<1x128xi32, #tpu.memory_space<vmem>>
    %dma_start3A_123 = tpu.memref_squeeze %dma_start3A_122 : memref<1x128xi32, #tpu.memory_space<vmem>> -> memref<128xi32, #tpu.memory_space<vmem>>
    %dma_start3A_124 = arith.constant 0 : i32
    %dma_start3A_125 = arith.constant 0 : i32
    %dma_start3A_126 = tpu.memref_slice %arg8[%dma_start3A_124, %dma_start3A_125] : memref<1001x32xf32, #tpu.memory_space<hbm>> -> memref<1001x32xf32, #tpu.memory_space<hbm>>
    tpu.enqueue_indirect_dma source(%dma_start3A_126 : memref<1001x32xf32, #tpu.memory_space<hbm>>) target(%dma_start3A_120 : memref<128x32xf32, #tpu.memory_space<vmem>>) offsets(%dma_start3A_123 : memref<128xi32, #tpu.memory_space<vmem>>) semaphore(%arg21 : memref<!tpu.dma_semaphore, #tpu.memory_space<semaphore_mem>>)
    %dma_start3A_127 = arith.constant 0 : i32
    %dma_start3A_128 = arith.constant 0 : i32
    %dma_start3A_129 = arith.constant 0 : i32
    %dma_start3A_130 = tpu.memref_slice %arg20[%dma_start3A_128, %dma_start3A_129] : memref<512x32xf32, #tpu.memory_space<vmem>> -> memref<128x32xf32, #tpu.memory_space<vmem>>
    %dma_start3A_131 = arith.constant 0 : i32
    %dma_start3A_132 = tpu.memref_slice %arg15[%dma_start3A_127, %dma_start3A_131] : memref<4x128xi32, #tpu.memory_space<vmem>> -> memref<1x128xi32, #tpu.memory_space<vmem>>
    %dma_start3A_133 = tpu.memref_squeeze %dma_start3A_132 : memref<1x128xi32, #tpu.memory_space<vmem>> -> memref<128xi32, #tpu.memory_space<vmem>>
    %dma_start3A_134 = arith.constant 0 : i32
    %dma_start3A_135 = arith.constant 0 : i32
    %dma_start3A_136 = tpu.memref_slice %arg9[%dma_start3A_134, %dma_start3A_135] : memref<1002x32xf32, #tpu.memory_space<hbm>> -> memref<1002x32xf32, #tpu.memory_space<hbm>>
    tpu.enqueue_indirect_dma source(%dma_start3A_136 : memref<1002x32xf32, #tpu.memory_space<hbm>>) target(%dma_start3A_130 : memref<128x32xf32, #tpu.memory_space<vmem>>) offsets(%dma_start3A_133 : memref<128xi32, #tpu.memory_space<vmem>>) semaphore(%arg21 : memref<!tpu.dma_semaphore, #tpu.memory_space<semaphore_mem>>)
    %dma_start3A_137 = arith.constant 1 : i32
    %dma_start3A_138 = arith.constant 128 : i32
    %dma_start3A_139 = arith.constant 0 : i32
    %dma_start3A_140 = tpu.memref_slice %arg20[%dma_start3A_138, %dma_start3A_139] : memref<512x32xf32, #tpu.memory_space<vmem>> -> memref<128x32xf32, #tpu.memory_space<vmem>>
    %dma_start3A_141 = arith.constant 0 : i32
    %dma_start3A_142 = tpu.memref_slice %arg15[%dma_start3A_137, %dma_start3A_141] : memref<4x128xi32, #tpu.memory_space<vmem>> -> memref<1x128xi32, #tpu.memory_space<vmem>>
    %dma_start3A_143 = tpu.memref_squeeze %dma_start3A_142 : memref<1x128xi32, #tpu.memory_space<vmem>> -> memref<128xi32, #tpu.memory_space<vmem>>
    %dma_start3A_144 = arith.constant 0 : i32
    %dma_start3A_145 = arith.constant 0 : i32
    %dma_start3A_146 = tpu.memref_slice %arg9[%dma_start3A_144, %dma_start3A_145] : memref<1002x32xf32, #tpu.memory_space<hbm>> -> memref<1002x32xf32, #tpu.memory_space<hbm>>
    tpu.enqueue_indirect_dma source(%dma_start3A_146 : memref<1002x32xf32, #tpu.memory_space<hbm>>) target(%dma_start3A_140 : memref<128x32xf32, #tpu.memory_space<vmem>>) offsets(%dma_start3A_143 : memref<128xi32, #tpu.memory_space<vmem>>) semaphore(%arg21 : memref<!tpu.dma_semaphore, #tpu.memory_space<semaphore_mem>>)
    %dma_start3A_147 = arith.constant 2 : i32
    %dma_start3A_148 = arith.constant 256 : i32
    %dma_start3A_149 = arith.constant 0 : i32
    %dma_start3A_150 = tpu.memref_slice %arg20[%dma_start3A_148, %dma_start3A_149] : memref<512x32xf32, #tpu.memory_space<vmem>> -> memref<128x32xf32, #tpu.memory_space<vmem>>
    %dma_start3A_151 = arith.constant 0 : i32
    %dma_start3A_152 = tpu.memref_slice %arg15[%dma_start3A_147, %dma_start3A_151] : memref<4x128xi32, #tpu.memory_space<vmem>> -> memref<1x128xi32, #tpu.memory_space<vmem>>
    %dma_start3A_153 = tpu.memref_squeeze %dma_start3A_152 : memref<1x128xi32, #tpu.memory_space<vmem>> -> memref<128xi32, #tpu.memory_space<vmem>>
    %dma_start3A_154 = arith.constant 0 : i32
    %dma_start3A_155 = arith.constant 0 : i32
    %dma_start3A_156 = tpu.memref_slice %arg9[%dma_start3A_154, %dma_start3A_155] : memref<1002x32xf32, #tpu.memory_space<hbm>> -> memref<1002x32xf32, #tpu.memory_space<hbm>>
    tpu.enqueue_indirect_dma source(%dma_start3A_156 : memref<1002x32xf32, #tpu.memory_space<hbm>>) target(%dma_start3A_150 : memref<128x32xf32, #tpu.memory_space<vmem>>) offsets(%dma_start3A_153 : memref<128xi32, #tpu.memory_space<vmem>>) semaphore(%arg21 : memref<!tpu.dma_semaphore, #tpu.memory_space<semaphore_mem>>)
    %dma_start3A_157 = arith.constant 3 : i32
    %dma_start3A_158 = arith.constant 384 : i32
    %dma_start3A_159 = arith.constant 0 : i32
    %dma_start3A_160 = tpu.memref_slice %arg20[%dma_start3A_158, %dma_start3A_159] : memref<512x32xf32, #tpu.memory_space<vmem>> -> memref<128x32xf32, #tpu.memory_space<vmem>>
    %dma_start3A_161 = arith.constant 0 : i32
    %dma_start3A_162 = tpu.memref_slice %arg15[%dma_start3A_157, %dma_start3A_161] : memref<4x128xi32, #tpu.memory_space<vmem>> -> memref<1x128xi32, #tpu.memory_space<vmem>>
    %dma_start3A_163 = tpu.memref_squeeze %dma_start3A_162 : memref<1x128xi32, #tpu.memory_space<vmem>> -> memref<128xi32, #tpu.memory_space<vmem>>
    %dma_start3A_164 = arith.constant 0 : i32
    %dma_start3A_165 = arith.constant 0 : i32
    %dma_start3A_166 = tpu.memref_slice %arg9[%dma_start3A_164, %dma_start3A_165] : memref<1002x32xf32, #tpu.memory_space<hbm>> -> memref<1002x32xf32, #tpu.memory_space<hbm>>
    tpu.enqueue_indirect_dma source(%dma_start3A_166 : memref<1002x32xf32, #tpu.memory_space<hbm>>) target(%dma_start3A_160 : memref<128x32xf32, #tpu.memory_space<vmem>>) offsets(%dma_start3A_163 : memref<128xi32, #tpu.memory_space<vmem>>) semaphore(%arg21 : memref<!tpu.dma_semaphore, #tpu.memory_space<semaphore_mem>>)
    %dma_wait3A = arith.constant 0 : i32
    %dma_wait3A_167 = arith.constant 0 : i32
    %dma_wait3A_168 = arith.constant 0 : i32
    %dma_wait3A_169 = tpu.memref_slice %arg17[%dma_wait3A_167, %dma_wait3A_168] : memref<512x32xf32, #tpu.memory_space<vmem>> -> memref<128x32xf32, #tpu.memory_space<vmem>>
    %dma_wait3A_170 = arith.constant 0 : i32
    %dma_wait3A_171 = tpu.memref_slice %arg12[%dma_wait3A, %dma_wait3A_170] : memref<4x128xi32, #tpu.memory_space<vmem>> -> memref<1x128xi32, #tpu.memory_space<vmem>>
    %dma_wait3A_172 = tpu.memref_squeeze %dma_wait3A_171 : memref<1x128xi32, #tpu.memory_space<vmem>> -> memref<128xi32, #tpu.memory_space<vmem>>
    %dma_wait3A_173 = arith.constant 0 : i32
    %dma_wait3A_174 = arith.constant 0 : i32
    %dma_wait3A_175 = tpu.memref_slice %arg6[%dma_wait3A_173, %dma_wait3A_174] : memref<1000001x32xf32, #tpu.memory_space<hbm>> -> memref<1000001x32xf32, #tpu.memory_space<hbm>>
    tpu.wait_indirect_dma semaphore(%arg21 : memref<!tpu.dma_semaphore, #tpu.memory_space<semaphore_mem>>) src(%dma_wait3A_175 : memref<1000001x32xf32, #tpu.memory_space<hbm>>) dst(%dma_wait3A_169 : memref<128x32xf32, #tpu.memory_space<vmem>>)
    %dma_wait3A_176 = arith.constant 1 : i32
    %dma_wait3A_177 = arith.constant 128 : i32
    %dma_wait3A_178 = arith.constant 0 : i32
    %dma_wait3A_179 = tpu.memref_slice %arg17[%dma_wait3A_177, %dma_wait3A_178] : memref<512x32xf32, #tpu.memory_space<vmem>> -> memref<128x32xf32, #tpu.memory_space<vmem>>
    %dma_wait3A_180 = arith.constant 0 : i32
    %dma_wait3A_181 = tpu.memref_slice %arg12[%dma_wait3A_176, %dma_wait3A_180] : memref<4x128xi32, #tpu.memory_space<vmem>> -> memref<1x128xi32, #tpu.memory_space<vmem>>
    %dma_wait3A_182 = tpu.memref_squeeze %dma_wait3A_181 : memref<1x128xi32, #tpu.memory_space<vmem>> -> memref<128xi32, #tpu.memory_space<vmem>>
    %dma_wait3A_183 = arith.constant 0 : i32
    %dma_wait3A_184 = arith.constant 0 : i32
    %dma_wait3A_185 = tpu.memref_slice %arg6[%dma_wait3A_183, %dma_wait3A_184] : memref<1000001x32xf32, #tpu.memory_space<hbm>> -> memref<1000001x32xf32, #tpu.memory_space<hbm>>
    tpu.wait_indirect_dma semaphore(%arg21 : memref<!tpu.dma_semaphore, #tpu.memory_space<semaphore_mem>>) src(%dma_wait3A_185 : memref<1000001x32xf32, #tpu.memory_space<hbm>>) dst(%dma_wait3A_179 : memref<128x32xf32, #tpu.memory_space<vmem>>)
    %dma_wait3A_186 = arith.constant 2 : i32
    %dma_wait3A_187 = arith.constant 256 : i32
    %dma_wait3A_188 = arith.constant 0 : i32
    %dma_wait3A_189 = tpu.memref_slice %arg17[%dma_wait3A_187, %dma_wait3A_188] : memref<512x32xf32, #tpu.memory_space<vmem>> -> memref<128x32xf32, #tpu.memory_space<vmem>>
    %dma_wait3A_190 = arith.constant 0 : i32
    %dma_wait3A_191 = tpu.memref_slice %arg12[%dma_wait3A_186, %dma_wait3A_190] : memref<4x128xi32, #tpu.memory_space<vmem>> -> memref<1x128xi32, #tpu.memory_space<vmem>>
    %dma_wait3A_192 = tpu.memref_squeeze %dma_wait3A_191 : memref<1x128xi32, #tpu.memory_space<vmem>> -> memref<128xi32, #tpu.memory_space<vmem>>
    %dma_wait3A_193 = arith.constant 0 : i32
    %dma_wait3A_194 = arith.constant 0 : i32
    %dma_wait3A_195 = tpu.memref_slice %arg6[%dma_wait3A_193, %dma_wait3A_194] : memref<1000001x32xf32, #tpu.memory_space<hbm>> -> memref<1000001x32xf32, #tpu.memory_space<hbm>>
    tpu.wait_indirect_dma semaphore(%arg21 : memref<!tpu.dma_semaphore, #tpu.memory_space<semaphore_mem>>) src(%dma_wait3A_195 : memref<1000001x32xf32, #tpu.memory_space<hbm>>) dst(%dma_wait3A_189 : memref<128x32xf32, #tpu.memory_space<vmem>>)
    %dma_wait3A_196 = arith.constant 3 : i32
    %dma_wait3A_197 = arith.constant 384 : i32
    %dma_wait3A_198 = arith.constant 0 : i32
    %dma_wait3A_199 = tpu.memref_slice %arg17[%dma_wait3A_197, %dma_wait3A_198] : memref<512x32xf32, #tpu.memory_space<vmem>> -> memref<128x32xf32, #tpu.memory_space<vmem>>
    %dma_wait3A_200 = arith.constant 0 : i32
    %dma_wait3A_201 = tpu.memref_slice %arg12[%dma_wait3A_196, %dma_wait3A_200] : memref<4x128xi32, #tpu.memory_space<vmem>> -> memref<1x128xi32, #tpu.memory_space<vmem>>
    %dma_wait3A_202 = tpu.memref_squeeze %dma_wait3A_201 : memref<1x128xi32, #tpu.memory_space<vmem>> -> memref<128xi32, #tpu.memory_space<vmem>>
    %dma_wait3A_203 = arith.constant 0 : i32
    %dma_wait3A_204 = arith.constant 0 : i32
    %dma_wait3A_205 = tpu.memref_slice %arg6[%dma_wait3A_203, %dma_wait3A_204] : memref<1000001x32xf32, #tpu.memory_space<hbm>> -> memref<1000001x32xf32, #tpu.memory_space<hbm>>
    tpu.wait_indirect_dma semaphore(%arg21 : memref<!tpu.dma_semaphore, #tpu.memory_space<semaphore_mem>>) src(%dma_wait3A_205 : memref<1000001x32xf32, #tpu.memory_space<hbm>>) dst(%dma_wait3A_199 : memref<128x32xf32, #tpu.memory_space<vmem>>)
    %dma_wait3A_206 = arith.constant 0 : i32
    %dma_wait3A_207 = arith.constant 0 : i32
    %dma_wait3A_208 = arith.constant 0 : i32
    %dma_wait3A_209 = tpu.memref_slice %arg18[%dma_wait3A_207, %dma_wait3A_208] : memref<512x32xf32, #tpu.memory_space<vmem>> -> memref<128x32xf32, #tpu.memory_space<vmem>>
    %dma_wait3A_210 = arith.constant 0 : i32
    %dma_wait3A_211 = tpu.memref_slice %arg13[%dma_wait3A_206, %dma_wait3A_210] : memref<4x128xi32, #tpu.memory_space<vmem>> -> memref<1x128xi32, #tpu.memory_space<vmem>>
    %dma_wait3A_212 = tpu.memref_squeeze %dma_wait3A_211 : memref<1x128xi32, #tpu.memory_space<vmem>> -> memref<128xi32, #tpu.memory_space<vmem>>
    %dma_wait3A_213 = arith.constant 0 : i32
    %dma_wait3A_214 = arith.constant 0 : i32
    %dma_wait3A_215 = tpu.memref_slice %arg7[%dma_wait3A_213, %dma_wait3A_214] : memref<100001x32xf32, #tpu.memory_space<hbm>> -> memref<100001x32xf32, #tpu.memory_space<hbm>>
    tpu.wait_indirect_dma semaphore(%arg21 : memref<!tpu.dma_semaphore, #tpu.memory_space<semaphore_mem>>) src(%dma_wait3A_215 : memref<100001x32xf32, #tpu.memory_space<hbm>>) dst(%dma_wait3A_209 : memref<128x32xf32, #tpu.memory_space<vmem>>)
    %dma_wait3A_216 = arith.constant 1 : i32
    %dma_wait3A_217 = arith.constant 128 : i32
    %dma_wait3A_218 = arith.constant 0 : i32
    %dma_wait3A_219 = tpu.memref_slice %arg18[%dma_wait3A_217, %dma_wait3A_218] : memref<512x32xf32, #tpu.memory_space<vmem>> -> memref<128x32xf32, #tpu.memory_space<vmem>>
    %dma_wait3A_220 = arith.constant 0 : i32
    %dma_wait3A_221 = tpu.memref_slice %arg13[%dma_wait3A_216, %dma_wait3A_220] : memref<4x128xi32, #tpu.memory_space<vmem>> -> memref<1x128xi32, #tpu.memory_space<vmem>>
    %dma_wait3A_222 = tpu.memref_squeeze %dma_wait3A_221 : memref<1x128xi32, #tpu.memory_space<vmem>> -> memref<128xi32, #tpu.memory_space<vmem>>
    %dma_wait3A_223 = arith.constant 0 : i32
    %dma_wait3A_224 = arith.constant 0 : i32
    %dma_wait3A_225 = tpu.memref_slice %arg7[%dma_wait3A_223, %dma_wait3A_224] : memref<100001x32xf32, #tpu.memory_space<hbm>> -> memref<100001x32xf32, #tpu.memory_space<hbm>>
    tpu.wait_indirect_dma semaphore(%arg21 : memref<!tpu.dma_semaphore, #tpu.memory_space<semaphore_mem>>) src(%dma_wait3A_225 : memref<100001x32xf32, #tpu.memory_space<hbm>>) dst(%dma_wait3A_219 : memref<128x32xf32, #tpu.memory_space<vmem>>)
    %dma_wait3A_226 = arith.constant 2 : i32
    %dma_wait3A_227 = arith.constant 256 : i32
    %dma_wait3A_228 = arith.constant 0 : i32
    %dma_wait3A_229 = tpu.memref_slice %arg18[%dma_wait3A_227, %dma_wait3A_228] : memref<512x32xf32, #tpu.memory_space<vmem>> -> memref<128x32xf32, #tpu.memory_space<vmem>>
    %dma_wait3A_230 = arith.constant 0 : i32
    %dma_wait3A_231 = tpu.memref_slice %arg13[%dma_wait3A_226, %dma_wait3A_230] : memref<4x128xi32, #tpu.memory_space<vmem>> -> memref<1x128xi32, #tpu.memory_space<vmem>>
    %dma_wait3A_232 = tpu.memref_squeeze %dma_wait3A_231 : memref<1x128xi32, #tpu.memory_space<vmem>> -> memref<128xi32, #tpu.memory_space<vmem>>
    %dma_wait3A_233 = arith.constant 0 : i32
    %dma_wait3A_234 = arith.constant 0 : i32
    %dma_wait3A_235 = tpu.memref_slice %arg7[%dma_wait3A_233, %dma_wait3A_234] : memref<100001x32xf32, #tpu.memory_space<hbm>> -> memref<100001x32xf32, #tpu.memory_space<hbm>>
    tpu.wait_indirect_dma semaphore(%arg21 : memref<!tpu.dma_semaphore, #tpu.memory_space<semaphore_mem>>) src(%dma_wait3A_235 : memref<100001x32xf32, #tpu.memory_space<hbm>>) dst(%dma_wait3A_229 : memref<128x32xf32, #tpu.memory_space<vmem>>)
    %dma_wait3A_236 = arith.constant 3 : i32
    %dma_wait3A_237 = arith.constant 384 : i32
    %dma_wait3A_238 = arith.constant 0 : i32
    %dma_wait3A_239 = tpu.memref_slice %arg18[%dma_wait3A_237, %dma_wait3A_238] : memref<512x32xf32, #tpu.memory_space<vmem>> -> memref<128x32xf32, #tpu.memory_space<vmem>>
    %dma_wait3A_240 = arith.constant 0 : i32
    %dma_wait3A_241 = tpu.memref_slice %arg13[%dma_wait3A_236, %dma_wait3A_240] : memref<4x128xi32, #tpu.memory_space<vmem>> -> memref<1x128xi32, #tpu.memory_space<vmem>>
    %dma_wait3A_242 = tpu.memref_squeeze %dma_wait3A_241 : memref<1x128xi32, #tpu.memory_space<vmem>> -> memref<128xi32, #tpu.memory_space<vmem>>
    %dma_wait3A_243 = arith.constant 0 : i32
    %dma_wait3A_244 = arith.constant 0 : i32
    %dma_wait3A_245 = tpu.memref_slice %arg7[%dma_wait3A_243, %dma_wait3A_244] : memref<100001x32xf32, #tpu.memory_space<hbm>> -> memref<100001x32xf32, #tpu.memory_space<hbm>>
    tpu.wait_indirect_dma semaphore(%arg21 : memref<!tpu.dma_semaphore, #tpu.memory_space<semaphore_mem>>) src(%dma_wait3A_245 : memref<100001x32xf32, #tpu.memory_space<hbm>>) dst(%dma_wait3A_239 : memref<128x32xf32, #tpu.memory_space<vmem>>)
    %dma_wait3A_246 = arith.constant 0 : i32
    %dma_wait3A_247 = arith.constant 0 : i32
    %dma_wait3A_248 = arith.constant 0 : i32
    %dma_wait3A_249 = tpu.memref_slice %arg19[%dma_wait3A_247, %dma_wait3A_248] : memref<512x32xf32, #tpu.memory_space<vmem>> -> memref<128x32xf32, #tpu.memory_space<vmem>>
    %dma_wait3A_250 = arith.constant 0 : i32
    %dma_wait3A_251 = tpu.memref_slice %arg14[%dma_wait3A_246, %dma_wait3A_250] : memref<4x128xi32, #tpu.memory_space<vmem>> -> memref<1x128xi32, #tpu.memory_space<vmem>>
    %dma_wait3A_252 = tpu.memref_squeeze %dma_wait3A_251 : memref<1x128xi32, #tpu.memory_space<vmem>> -> memref<128xi32, #tpu.memory_space<vmem>>
    %dma_wait3A_253 = arith.constant 0 : i32
    %dma_wait3A_254 = arith.constant 0 : i32
    %dma_wait3A_255 = tpu.memref_slice %arg8[%dma_wait3A_253, %dma_wait3A_254] : memref<1001x32xf32, #tpu.memory_space<hbm>> -> memref<1001x32xf32, #tpu.memory_space<hbm>>
    tpu.wait_indirect_dma semaphore(%arg21 : memref<!tpu.dma_semaphore, #tpu.memory_space<semaphore_mem>>) src(%dma_wait3A_255 : memref<1001x32xf32, #tpu.memory_space<hbm>>) dst(%dma_wait3A_249 : memref<128x32xf32, #tpu.memory_space<vmem>>)
    %dma_wait3A_256 = arith.constant 1 : i32
    %dma_wait3A_257 = arith.constant 128 : i32
    %dma_wait3A_258 = arith.constant 0 : i32
    %dma_wait3A_259 = tpu.memref_slice %arg19[%dma_wait3A_257, %dma_wait3A_258] : memref<512x32xf32, #tpu.memory_space<vmem>> -> memref<128x32xf32, #tpu.memory_space<vmem>>
    %dma_wait3A_260 = arith.constant 0 : i32
    %dma_wait3A_261 = tpu.memref_slice %arg14[%dma_wait3A_256, %dma_wait3A_260] : memref<4x128xi32, #tpu.memory_space<vmem>> -> memref<1x128xi32, #tpu.memory_space<vmem>>
    %dma_wait3A_262 = tpu.memref_squeeze %dma_wait3A_261 : memref<1x128xi32, #tpu.memory_space<vmem>> -> memref<128xi32, #tpu.memory_space<vmem>>
    %dma_wait3A_263 = arith.constant 0 : i32
    %dma_wait3A_264 = arith.constant 0 : i32
    %dma_wait3A_265 = tpu.memref_slice %arg8[%dma_wait3A_263, %dma_wait3A_264] : memref<1001x32xf32, #tpu.memory_space<hbm>> -> memref<1001x32xf32, #tpu.memory_space<hbm>>
    tpu.wait_indirect_dma semaphore(%arg21 : memref<!tpu.dma_semaphore, #tpu.memory_space<semaphore_mem>>) src(%dma_wait3A_265 : memref<1001x32xf32, #tpu.memory_space<hbm>>) dst(%dma_wait3A_259 : memref<128x32xf32, #tpu.memory_space<vmem>>)
    %dma_wait3A_266 = arith.constant 2 : i32
    %dma_wait3A_267 = arith.constant 256 : i32
    %dma_wait3A_268 = arith.constant 0 : i32
    %dma_wait3A_269 = tpu.memref_slice %arg19[%dma_wait3A_267, %dma_wait3A_268] : memref<512x32xf32, #tpu.memory_space<vmem>> -> memref<128x32xf32, #tpu.memory_space<vmem>>
    %dma_wait3A_270 = arith.constant 0 : i32
    %dma_wait3A_271 = tpu.memref_slice %arg14[%dma_wait3A_266, %dma_wait3A_270] : memref<4x128xi32, #tpu.memory_space<vmem>> -> memref<1x128xi32, #tpu.memory_space<vmem>>
    %dma_wait3A_272 = tpu.memref_squeeze %dma_wait3A_271 : memref<1x128xi32, #tpu.memory_space<vmem>> -> memref<128xi32, #tpu.memory_space<vmem>>
    %dma_wait3A_273 = arith.constant 0 : i32
    %dma_wait3A_274 = arith.constant 0 : i32
    %dma_wait3A_275 = tpu.memref_slice %arg8[%dma_wait3A_273, %dma_wait3A_274] : memref<1001x32xf32, #tpu.memory_space<hbm>> -> memref<1001x32xf32, #tpu.memory_space<hbm>>
    tpu.wait_indirect_dma semaphore(%arg21 : memref<!tpu.dma_semaphore, #tpu.memory_space<semaphore_mem>>) src(%dma_wait3A_275 : memref<1001x32xf32, #tpu.memory_space<hbm>>) dst(%dma_wait3A_269 : memref<128x32xf32, #tpu.memory_space<vmem>>)
    %dma_wait3A_276 = arith.constant 3 : i32
    %dma_wait3A_277 = arith.constant 384 : i32
    %dma_wait3A_278 = arith.constant 0 : i32
    %dma_wait3A_279 = tpu.memref_slice %arg19[%dma_wait3A_277, %dma_wait3A_278] : memref<512x32xf32, #tpu.memory_space<vmem>> -> memref<128x32xf32, #tpu.memory_space<vmem>>
    %dma_wait3A_280 = arith.constant 0 : i32
    %dma_wait3A_281 = tpu.memref_slice %arg14[%dma_wait3A_276, %dma_wait3A_280] : memref<4x128xi32, #tpu.memory_space<vmem>> -> memref<1x128xi32, #tpu.memory_space<vmem>>
    %dma_wait3A_282 = tpu.memref_squeeze %dma_wait3A_281 : memref<1x128xi32, #tpu.memory_space<vmem>> -> memref<128xi32, #tpu.memory_space<vmem>>
    %dma_wait3A_283 = arith.constant 0 : i32
    %dma_wait3A_284 = arith.constant 0 : i32
    %dma_wait3A_285 = tpu.memref_slice %arg8[%dma_wait3A_283, %dma_wait3A_284] : memref<1001x32xf32, #tpu.memory_space<hbm>> -> memref<1001x32xf32, #tpu.memory_space<hbm>>
    tpu.wait_indirect_dma semaphore(%arg21 : memref<!tpu.dma_semaphore, #tpu.memory_space<semaphore_mem>>) src(%dma_wait3A_285 : memref<1001x32xf32, #tpu.memory_space<hbm>>) dst(%dma_wait3A_279 : memref<128x32xf32, #tpu.memory_space<vmem>>)
    %dma_wait3A_286 = arith.constant 0 : i32
    %dma_wait3A_287 = arith.constant 0 : i32
    %dma_wait3A_288 = arith.constant 0 : i32
    %dma_wait3A_289 = tpu.memref_slice %arg20[%dma_wait3A_287, %dma_wait3A_288] : memref<512x32xf32, #tpu.memory_space<vmem>> -> memref<128x32xf32, #tpu.memory_space<vmem>>
    %dma_wait3A_290 = arith.constant 0 : i32
    %dma_wait3A_291 = tpu.memref_slice %arg15[%dma_wait3A_286, %dma_wait3A_290] : memref<4x128xi32, #tpu.memory_space<vmem>> -> memref<1x128xi32, #tpu.memory_space<vmem>>
    %dma_wait3A_292 = tpu.memref_squeeze %dma_wait3A_291 : memref<1x128xi32, #tpu.memory_space<vmem>> -> memref<128xi32, #tpu.memory_space<vmem>>
    %dma_wait3A_293 = arith.constant 0 : i32
    %dma_wait3A_294 = arith.constant 0 : i32
    %dma_wait3A_295 = tpu.memref_slice %arg9[%dma_wait3A_293, %dma_wait3A_294] : memref<1002x32xf32, #tpu.memory_space<hbm>> -> memref<1002x32xf32, #tpu.memory_space<hbm>>
    tpu.wait_indirect_dma semaphore(%arg21 : memref<!tpu.dma_semaphore, #tpu.memory_space<semaphore_mem>>) src(%dma_wait3A_295 : memref<1002x32xf32, #tpu.memory_space<hbm>>) dst(%dma_wait3A_289 : memref<128x32xf32, #tpu.memory_space<vmem>>)
    %dma_wait3A_296 = arith.constant 1 : i32
    %dma_wait3A_297 = arith.constant 128 : i32
    %dma_wait3A_298 = arith.constant 0 : i32
    %dma_wait3A_299 = tpu.memref_slice %arg20[%dma_wait3A_297, %dma_wait3A_298] : memref<512x32xf32, #tpu.memory_space<vmem>> -> memref<128x32xf32, #tpu.memory_space<vmem>>
    %dma_wait3A_300 = arith.constant 0 : i32
    %dma_wait3A_301 = tpu.memref_slice %arg15[%dma_wait3A_296, %dma_wait3A_300] : memref<4x128xi32, #tpu.memory_space<vmem>> -> memref<1x128xi32, #tpu.memory_space<vmem>>
    %dma_wait3A_302 = tpu.memref_squeeze %dma_wait3A_301 : memref<1x128xi32, #tpu.memory_space<vmem>> -> memref<128xi32, #tpu.memory_space<vmem>>
    %dma_wait3A_303 = arith.constant 0 : i32
    %dma_wait3A_304 = arith.constant 0 : i32
    %dma_wait3A_305 = tpu.memref_slice %arg9[%dma_wait3A_303, %dma_wait3A_304] : memref<1002x32xf32, #tpu.memory_space<hbm>> -> memref<1002x32xf32, #tpu.memory_space<hbm>>
    tpu.wait_indirect_dma semaphore(%arg21 : memref<!tpu.dma_semaphore, #tpu.memory_space<semaphore_mem>>) src(%dma_wait3A_305 : memref<1002x32xf32, #tpu.memory_space<hbm>>) dst(%dma_wait3A_299 : memref<128x32xf32, #tpu.memory_space<vmem>>)
    %dma_wait3A_306 = arith.constant 2 : i32
    %dma_wait3A_307 = arith.constant 256 : i32
    %dma_wait3A_308 = arith.constant 0 : i32
    %dma_wait3A_309 = tpu.memref_slice %arg20[%dma_wait3A_307, %dma_wait3A_308] : memref<512x32xf32, #tpu.memory_space<vmem>> -> memref<128x32xf32, #tpu.memory_space<vmem>>
    %dma_wait3A_310 = arith.constant 0 : i32
    %dma_wait3A_311 = tpu.memref_slice %arg15[%dma_wait3A_306, %dma_wait3A_310] : memref<4x128xi32, #tpu.memory_space<vmem>> -> memref<1x128xi32, #tpu.memory_space<vmem>>
    %dma_wait3A_312 = tpu.memref_squeeze %dma_wait3A_311 : memref<1x128xi32, #tpu.memory_space<vmem>> -> memref<128xi32, #tpu.memory_space<vmem>>
    %dma_wait3A_313 = arith.constant 0 : i32
    %dma_wait3A_314 = arith.constant 0 : i32
    %dma_wait3A_315 = tpu.memref_slice %arg9[%dma_wait3A_313, %dma_wait3A_314] : memref<1002x32xf32, #tpu.memory_space<hbm>> -> memref<1002x32xf32, #tpu.memory_space<hbm>>
    tpu.wait_indirect_dma semaphore(%arg21 : memref<!tpu.dma_semaphore, #tpu.memory_space<semaphore_mem>>) src(%dma_wait3A_315 : memref<1002x32xf32, #tpu.memory_space<hbm>>) dst(%dma_wait3A_309 : memref<128x32xf32, #tpu.memory_space<vmem>>)
    %dma_wait3A_316 = arith.constant 3 : i32
    %dma_wait3A_317 = arith.constant 384 : i32
    %dma_wait3A_318 = arith.constant 0 : i32
    %dma_wait3A_319 = tpu.memref_slice %arg20[%dma_wait3A_317, %dma_wait3A_318] : memref<512x32xf32, #tpu.memory_space<vmem>> -> memref<128x32xf32, #tpu.memory_space<vmem>>
    %dma_wait3A_320 = arith.constant 0 : i32
    %dma_wait3A_321 = tpu.memref_slice %arg15[%dma_wait3A_316, %dma_wait3A_320] : memref<4x128xi32, #tpu.memory_space<vmem>> -> memref<1x128xi32, #tpu.memory_space<vmem>>
    %dma_wait3A_322 = tpu.memref_squeeze %dma_wait3A_321 : memref<1x128xi32, #tpu.memory_space<vmem>> -> memref<128xi32, #tpu.memory_space<vmem>>
    %dma_wait3A_323 = arith.constant 0 : i32
    %dma_wait3A_324 = arith.constant 0 : i32
    %dma_wait3A_325 = tpu.memref_slice %arg9[%dma_wait3A_323, %dma_wait3A_324] : memref<1002x32xf32, #tpu.memory_space<hbm>> -> memref<1002x32xf32, #tpu.memory_space<hbm>>
    tpu.wait_indirect_dma semaphore(%arg21 : memref<!tpu.dma_semaphore, #tpu.memory_space<semaphore_mem>>) src(%dma_wait3A_325 : memref<1002x32xf32, #tpu.memory_space<hbm>>) dst(%dma_wait3A_319 : memref<128x32xf32, #tpu.memory_space<vmem>>)
    "tpu.region"() ({
      %run_scoped3A = tpu.sem_alloc : memref<!tpu.dma_semaphore, #tpu.memory_space<semaphore_mem>>
      %dma_start3A_326 = arith.constant 0 : i32
      %dma_start3A_327 = tpu.memref_slice %arg11[%mul3A_2, %dma_start3A_326] : memref<16384x128xf32, #tpu.memory_space<hbm>> -> memref<512x128xf32, #tpu.memory_space<hbm>>
      %dma_start3A_328 = arith.constant 0 : i32
      %dma_start3A_329 = arith.constant 0 : i32
      %dma_start3A_330 = tpu.memref_slice %dma_start3A_327[%dma_start3A_328, %dma_start3A_329] : memref<512x128xf32, #tpu.memory_space<hbm>> -> memref<512x32xf32, #tpu.memory_space<hbm>>
      %dma_start3A_331 = arith.constant 0 : i32
      %dma_start3A_332 = tpu.memref_slice %arg11[%mul3A_2, %dma_start3A_331] : memref<16384x128xf32, #tpu.memory_space<hbm>> -> memref<512x128xf32, #tpu.memory_space<hbm>>
      %dma_start3A_333 = arith.constant 0 : i32
      %dma_start3A_334 = arith.constant 0 : i32
      %dma_start3A_335 = tpu.memref_slice %dma_start3A_332[%dma_start3A_333, %dma_start3A_334] : memref<512x128xf32, #tpu.memory_space<hbm>> -> memref<512x32xf32, #tpu.memory_space<hbm>>
      tpu.enqueue_dma source(%arg17 : memref<512x32xf32, #tpu.memory_space<vmem>>) target(%dma_start3A_335 : memref<512x32xf32, #tpu.memory_space<hbm>>) target_semaphore(%run_scoped3A : memref<!tpu.dma_semaphore, #tpu.memory_space<semaphore_mem>>)
      %dma_wait3A_336 = arith.constant 0 : i32
      %dma_wait3A_337 = tpu.memref_slice %arg11[%mul3A_2, %dma_wait3A_336] : memref<16384x128xf32, #tpu.memory_space<hbm>> -> memref<512x128xf32, #tpu.memory_space<hbm>>
      %dma_wait3A_338 = arith.constant 0 : i32
      %dma_wait3A_339 = arith.constant 0 : i32
      %dma_wait3A_340 = tpu.memref_slice %dma_wait3A_337[%dma_wait3A_338, %dma_wait3A_339] : memref<512x128xf32, #tpu.memory_space<hbm>> -> memref<512x32xf32, #tpu.memory_space<hbm>>
      %dma_wait3A_341 = arith.constant 0 : i32
      %dma_wait3A_342 = tpu.memref_slice %arg11[%mul3A_2, %dma_wait3A_341] : memref<16384x128xf32, #tpu.memory_space<hbm>> -> memref<512x128xf32, #tpu.memory_space<hbm>>
      %dma_wait3A_343 = arith.constant 0 : i32
      %dma_wait3A_344 = arith.constant 0 : i32
      %dma_wait3A_345 = tpu.memref_slice %dma_wait3A_342[%dma_wait3A_343, %dma_wait3A_344] : memref<512x128xf32, #tpu.memory_space<hbm>> -> memref<512x32xf32, #tpu.memory_space<hbm>>
      tpu.wait_dma2 semaphore(%run_scoped3A : memref<!tpu.dma_semaphore, #tpu.memory_space<semaphore_mem>>) src(%arg17 : memref<512x32xf32, #tpu.memory_space<vmem>>) dst(%dma_wait3A_345 : memref<512x32xf32, #tpu.memory_space<hbm>>)
      tpu.yield
    }) : () -> ()
    "tpu.region"() ({
      %run_scoped3A = tpu.sem_alloc : memref<!tpu.dma_semaphore, #tpu.memory_space<semaphore_mem>>
      %dma_start3A_326 = arith.constant 0 : i32
      %dma_start3A_327 = tpu.memref_slice %arg11[%mul3A_2, %dma_start3A_326] : memref<16384x128xf32, #tpu.memory_space<hbm>> -> memref<512x128xf32, #tpu.memory_space<hbm>>
      %dma_start3A_328 = arith.constant 0 : i32
      %dma_start3A_329 = arith.constant 32 : i32
      %dma_start3A_330 = tpu.memref_slice %dma_start3A_327[%dma_start3A_328, %dma_start3A_329] : memref<512x128xf32, #tpu.memory_space<hbm>> -> memref<512x32xf32, #tpu.memory_space<hbm>>
      %dma_start3A_331 = arith.constant 0 : i32
      %dma_start3A_332 = tpu.memref_slice %arg11[%mul3A_2, %dma_start3A_331] : memref<16384x128xf32, #tpu.memory_space<hbm>> -> memref<512x128xf32, #tpu.memory_space<hbm>>
      %dma_start3A_333 = arith.constant 0 : i32
      %dma_start3A_334 = arith.constant 32 : i32
      %dma_start3A_335 = tpu.memref_slice %dma_start3A_332[%dma_start3A_333, %dma_start3A_334] : memref<512x128xf32, #tpu.memory_space<hbm>> -> memref<512x32xf32, #tpu.memory_space<hbm>>
      tpu.enqueue_dma source(%arg18 : memref<512x32xf32, #tpu.memory_space<vmem>>) target(%dma_start3A_335 : memref<512x32xf32, #tpu.memory_space<hbm>>) target_semaphore(%run_scoped3A : memref<!tpu.dma_semaphore, #tpu.memory_space<semaphore_mem>>)
      %dma_wait3A_336 = arith.constant 0 : i32
      %dma_wait3A_337 = tpu.memref_slice %arg11[%mul3A_2, %dma_wait3A_336] : memref<16384x128xf32, #tpu.memory_space<hbm>> -> memref<512x128xf32, #tpu.memory_space<hbm>>
      %dma_wait3A_338 = arith.constant 0 : i32
      %dma_wait3A_339 = arith.constant 32 : i32
      %dma_wait3A_340 = tpu.memref_slice %dma_wait3A_337[%dma_wait3A_338, %dma_wait3A_339] : memref<512x128xf32, #tpu.memory_space<hbm>> -> memref<512x32xf32, #tpu.memory_space<hbm>>
      %dma_wait3A_341 = arith.constant 0 : i32
      %dma_wait3A_342 = tpu.memref_slice %arg11[%mul3A_2, %dma_wait3A_341] : memref<16384x128xf32, #tpu.memory_space<hbm>> -> memref<512x128xf32, #tpu.memory_space<hbm>>
      %dma_wait3A_343 = arith.constant 0 : i32
      %dma_wait3A_344 = arith.constant 32 : i32
      %dma_wait3A_345 = tpu.memref_slice %dma_wait3A_342[%dma_wait3A_343, %dma_wait3A_344] : memref<512x128xf32, #tpu.memory_space<hbm>> -> memref<512x32xf32, #tpu.memory_space<hbm>>
      tpu.wait_dma2 semaphore(%run_scoped3A : memref<!tpu.dma_semaphore, #tpu.memory_space<semaphore_mem>>) src(%arg18 : memref<512x32xf32, #tpu.memory_space<vmem>>) dst(%dma_wait3A_345 : memref<512x32xf32, #tpu.memory_space<hbm>>)
      tpu.yield
    }) : () -> ()
    "tpu.region"() ({
      %run_scoped3A = tpu.sem_alloc : memref<!tpu.dma_semaphore, #tpu.memory_space<semaphore_mem>>
      %dma_start3A_326 = arith.constant 0 : i32
      %dma_start3A_327 = tpu.memref_slice %arg11[%mul3A_2, %dma_start3A_326] : memref<16384x128xf32, #tpu.memory_space<hbm>> -> memref<512x128xf32, #tpu.memory_space<hbm>>
      %dma_start3A_328 = arith.constant 0 : i32
      %dma_start3A_329 = arith.constant 64 : i32
      %dma_start3A_330 = tpu.memref_slice %dma_start3A_327[%dma_start3A_328, %dma_start3A_329] : memref<512x128xf32, #tpu.memory_space<hbm>> -> memref<512x32xf32, #tpu.memory_space<hbm>>
      %dma_start3A_331 = arith.constant 0 : i32
      %dma_start3A_332 = tpu.memref_slice %arg11[%mul3A_2, %dma_start3A_331] : memref<16384x128xf32, #tpu.memory_space<hbm>> -> memref<512x128xf32, #tpu.memory_space<hbm>>
      %dma_start3A_333 = arith.constant 0 : i32
      %dma_start3A_334 = arith.constant 64 : i32
      %dma_start3A_335 = tpu.memref_slice %dma_start3A_332[%dma_start3A_333, %dma_start3A_334] : memref<512x128xf32, #tpu.memory_space<hbm>> -> memref<512x32xf32, #tpu.memory_space<hbm>>
      tpu.enqueue_dma source(%arg19 : memref<512x32xf32, #tpu.memory_space<vmem>>) target(%dma_start3A_335 : memref<512x32xf32, #tpu.memory_space<hbm>>) target_semaphore(%run_scoped3A : memref<!tpu.dma_semaphore, #tpu.memory_space<semaphore_mem>>)
      %dma_wait3A_336 = arith.constant 0 : i32
      %dma_wait3A_337 = tpu.memref_slice %arg11[%mul3A_2, %dma_wait3A_336] : memref<16384x128xf32, #tpu.memory_space<hbm>> -> memref<512x128xf32, #tpu.memory_space<hbm>>
      %dma_wait3A_338 = arith.constant 0 : i32
      %dma_wait3A_339 = arith.constant 64 : i32
      %dma_wait3A_340 = tpu.memref_slice %dma_wait3A_337[%dma_wait3A_338, %dma_wait3A_339] : memref<512x128xf32, #tpu.memory_space<hbm>> -> memref<512x32xf32, #tpu.memory_space<hbm>>
      %dma_wait3A_341 = arith.constant 0 : i32
      %dma_wait3A_342 = tpu.memref_slice %arg11[%mul3A_2, %dma_wait3A_341] : memref<16384x128xf32, #tpu.memory_space<hbm>> -> memref<512x128xf32, #tpu.memory_space<hbm>>
      %dma_wait3A_343 = arith.constant 0 : i32
      %dma_wait3A_344 = arith.constant 64 : i32
      %dma_wait3A_345 = tpu.memref_slice %dma_wait3A_342[%dma_wait3A_343, %dma_wait3A_344] : memref<512x128xf32, #tpu.memory_space<hbm>> -> memref<512x32xf32, #tpu.memory_space<hbm>>
      tpu.wait_dma2 semaphore(%run_scoped3A : memref<!tpu.dma_semaphore, #tpu.memory_space<semaphore_mem>>) src(%arg19 : memref<512x32xf32, #tpu.memory_space<vmem>>) dst(%dma_wait3A_345 : memref<512x32xf32, #tpu.memory_space<hbm>>)
      tpu.yield
    }) : () -> ()
    "tpu.region"() ({
      %run_scoped3A = tpu.sem_alloc : memref<!tpu.dma_semaphore, #tpu.memory_space<semaphore_mem>>
      %dma_start3A_326 = arith.constant 0 : i32
      %dma_start3A_327 = tpu.memref_slice %arg11[%mul3A_2, %dma_start3A_326] : memref<16384x128xf32, #tpu.memory_space<hbm>> -> memref<512x128xf32, #tpu.memory_space<hbm>>
      %dma_start3A_328 = arith.constant 0 : i32
      %dma_start3A_329 = arith.constant 96 : i32
      %dma_start3A_330 = tpu.memref_slice %dma_start3A_327[%dma_start3A_328, %dma_start3A_329] : memref<512x128xf32, #tpu.memory_space<hbm>> -> memref<512x32xf32, #tpu.memory_space<hbm>>
      %dma_start3A_331 = arith.constant 0 : i32
      %dma_start3A_332 = tpu.memref_slice %arg11[%mul3A_2, %dma_start3A_331] : memref<16384x128xf32, #tpu.memory_space<hbm>> -> memref<512x128xf32, #tpu.memory_space<hbm>>
      %dma_start3A_333 = arith.constant 0 : i32
      %dma_start3A_334 = arith.constant 96 : i32
      %dma_start3A_335 = tpu.memref_slice %dma_start3A_332[%dma_start3A_333, %dma_start3A_334] : memref<512x128xf32, #tpu.memory_space<hbm>> -> memref<512x32xf32, #tpu.memory_space<hbm>>
      tpu.enqueue_dma source(%arg20 : memref<512x32xf32, #tpu.memory_space<vmem>>) target(%dma_start3A_335 : memref<512x32xf32, #tpu.memory_space<hbm>>) target_semaphore(%run_scoped3A : memref<!tpu.dma_semaphore, #tpu.memory_space<semaphore_mem>>)
      %dma_wait3A_336 = arith.constant 0 : i32
      %dma_wait3A_337 = tpu.memref_slice %arg11[%mul3A_2, %dma_wait3A_336] : memref<16384x128xf32, #tpu.memory_space<hbm>> -> memref<512x128xf32, #tpu.memory_space<hbm>>
      %dma_wait3A_338 = arith.constant 0 : i32
      %dma_wait3A_339 = arith.constant 96 : i32
      %dma_wait3A_340 = tpu.memref_slice %dma_wait3A_337[%dma_wait3A_338, %dma_wait3A_339] : memref<512x128xf32, #tpu.memory_space<hbm>> -> memref<512x32xf32, #tpu.memory_space<hbm>>
      %dma_wait3A_341 = arith.constant 0 : i32
      %dma_wait3A_342 = tpu.memref_slice %arg11[%mul3A_2, %dma_wait3A_341] : memref<16384x128xf32, #tpu.memory_space<hbm>> -> memref<512x128xf32, #tpu.memory_space<hbm>>
      %dma_wait3A_343 = arith.constant 0 : i32
      %dma_wait3A_344 = arith.constant 96 : i32
      %dma_wait3A_345 = tpu.memref_slice %dma_wait3A_342[%dma_wait3A_343, %dma_wait3A_344] : memref<512x128xf32, #tpu.memory_space<hbm>> -> memref<512x32xf32, #tpu.memory_space<hbm>>
      tpu.wait_dma2 semaphore(%run_scoped3A : memref<!tpu.dma_semaphore, #tpu.memory_space<semaphore_mem>>) src(%arg20 : memref<512x32xf32, #tpu.memory_space<vmem>>) dst(%dma_wait3A_345 : memref<512x32xf32, #tpu.memory_space<hbm>>)
      tpu.yield
    }) : () -> ()
    return
  }
}

module attributes {stable_mosaic.version = 14 : i64} {
  func.func @_tc_assemble_body(%arg0: i32, %arg1: memref<2048x128xf32, #tpu.memory_space<vmem>>, %arg2: memref<2048x1xi32, #tpu.memory_space<vmem>>, %arg3: memref<2048x129xf32, #tpu.memory_space<vmem>>) attributes {dimension_semantics = [#tpu.dimension_semantics<arbitrary>], iteration_bounds = array<i64: 8>, scalar_prefetch = 0 : i64, scratch_operands = 0 : i64, tpu.core_type = #tpu.core_type<tc>, window_params = [{transform_indices = @transform_0, window_bounds = array<i64: 2048, 128>}, {transform_indices = @transform_1, window_bounds = array<i64: 2048, 1>}, {transform_indices = @transform_2, window_bounds = array<i64: 2048, 129>}]} {
    %get3A = arith.constant 0 : index
    %get3A_0 = arith.constant 0 : index
    %get3A_1 = vector.load %arg1[%get3A, %get3A_0] : memref<2048x128xf32, #tpu.memory_space<vmem>>, vector<2048x128xf32>
    %swap3A = arith.constant 0 : index
    %swap3A_2 = arith.constant 0 : index
    %swap3A_3 = vector.load %arg3[%swap3A, %swap3A_2] : memref<2048x129xf32, #tpu.memory_space<vmem>>, vector<2048x128xf32>
    tpu.vector_store %arg3[%swap3A, %swap3A_2], %get3A_1 {strides = array<i32>} : memref<2048x129xf32, #tpu.memory_space<vmem>>, vector<2048x128xf32>,
    %get3A_4 = arith.constant 0 : index
    %get3A_5 = arith.constant 0 : index
    %get3A_6 = vector.load %arg2[%get3A_4, %get3A_5] : memref<2048x1xi32, #tpu.memory_space<vmem>>, vector<2048x1xi32>
    %convert_element_type3A = arith.sitofp %get3A_6 : vector<2048x1xi32> to vector<2048x1xf32>
    %sub3A = arith.constant 5.000000e+08 : f32
    %sub3A_7 = vector.broadcast %sub3A : f32 to vector<2048x1xf32>
    %sub3A_8 = arith.subf %convert_element_type3A, %sub3A_7 : vector<2048x1xf32>
    %div3A = arith.constant 0x4D89A6AA : f32
    %div3A_9 = vector.broadcast %div3A : f32 to vector<2048x1xf32>
    %div3A_10 = arith.divf %sub3A_8, %div3A_9 : vector<2048x1xf32>
    %swap3A_11 = arith.constant 0 : index
    %swap3A_12 = arith.constant 128 : index
    %swap3A_13 = vector.load %arg3[%swap3A_11, %swap3A_12] : memref<2048x129xf32, #tpu.memory_space<vmem>>, vector<2048x1xf32>
    tpu.vector_store %arg3[%swap3A_11, %swap3A_12], %div3A_10 {strides = array<i32>} : memref<2048x129xf32, #tpu.memory_space<vmem>>, vector<2048x1xf32>,
    return
  }
  func.func @transform_0(%arg0: i32) -> (i32, i32) {
    %c0_i32 = arith.constant 0 : i32
    %c0_i32_0 = arith.constant 0 : i32
    return %arg0, %c0_i32 : i32, i32
  }
  func.func @transform_1(%arg0: i32) -> (i32, i32) {
    %c0_i32 = arith.constant 0 : i32
    %c0_i32_0 = arith.constant 0 : i32
    return %arg0, %c0_i32 : i32, i32
  }
  func.func @transform_2(%arg0: i32) -> (i32, i32) {
    %c0_i32 = arith.constant 0 : i32
    %c0_i32_0 = arith.constant 0 : i32
    return %arg0, %c0_i32 : i32, i32
  }
}

</mosaic_0001>

<sc_bundles>
// kernel: kernel.4.cloned.1.call-start
scs
__scs_entry_jumppad:
0x0: {  	(pc) =	sbr.rel $0x88, $3  }
0x1: {  	(tag) =	ssettag $0x0;
	lr =	simm.s32 $0x1  }
0x2: {  	[smem:$0x3F99] =	sst lr;
	_ =	strace $0xD0000000  }
0x3: {  	_ = 	snop  }
0x4: {  	_ = 	snop  }
0x5: {  	_ = 	snop  }
0x6: {  	_ = 	snop  }
0x7: {  	_ = 	snop  }
__scs_overlays_trampoline_lowered:
0x8: {  	[smem:$0x3FA8] =	sst s0  }
0x9: {  	[smem:$0x3FA9] =	sst s1  }
0xa: {  	[smem:$0x3FAA] =	sst s2  }
0xb: {  	[smem:$0x3FAB] =	sst s3  }
0xc: {  	[smem:$0x3FAC] =	sst s4  }
0xd: {  	[smem:$0x3FAD] =	sst s5  }
0xe: {  	[smem:$0x3FAE] =	sst s6  }
0xf: {  	[smem:$0x3FAF] =	sst s7  }
0x10: {  	[smem:$0x3FB0] =	sst s8  }
0x11: {  	[smem:$0x3FB1] =	sst s9;
	s0 =	simm.s32 @!p0 $0x0  }
0x12: {  	s1 =	sld [smem:$0x3F97];
	s0 =	simm.s32 @p0 $0x1  }
0x13: {  	[smem:$0x3FB2] =	sst s0;
	s0 =	simm.s32 @!p1 $0x0  }
0x14: {  	s2 =	sld [smem:$0x3F96];
	s0 =	simm.s32 @p1 $0x1  }
0x15: {  	[smem:$0x3FB3] =	sst s0;
	s0 =	simm.s32 @!p2 $0x0  }
0x16: {  	s3 =	sld [smem:$0x3FDB];
	s0 =	simm.s32 @p2 $0x1  }
0x17: {  	s4 =	simm.s32 $0x1BF5;
	[smem:$0x3FB5] =	sst s0  }
0x18: {  	s0 =	sld [smem:$0x3F98];
	_ =	swait.ge [sflag:s4], $0x0  }
0x19: {  	s7 =	sld [smem:$0x3F99]  }
0x1a: {  	s8 =	sadd.s32 $0xFFFFE003, lr  }
0x1b: {  	s9 =	sadd.s32 $0xFFFFFEF7, lr;
	s5 =	simm.s32 $0xFFFFFFFF;
	p2 =	slt.u32 s8, $0xFFFFF086  }
0x1c: {  	p1 =	slt.u32 s9, $0xF7A;
	s5 =	simm.s32 @!p2 $0x0  }
0x1d: {  	s5 =	simm.s32 @p1 $0x1;
	p0 =	seq.s32 s7, s2  }
0x1e: {  	s7 =	smul.u32 @!p0 $0xF7A, s2;
	p2 =	seq.s32 @!p0 s5, $0x0  }
0x1f: {  	s9 =	smul.u32 $0xF7A, s1;
	s8 =	simm.s32 @!p0 $0x1BF5;
	p2 =	por !p2, p0  }
0x20: {  	[sflag:s8] =	ssyncset.s32 @!p0 $0xFFFFF086;
	s6 =	sadd.s32 @!p0 s3, s7;
	s7 =	simm.s32 @!p0 $0x108  }
0x21: {  	s3 =	sadd.s32 s3, s9;
	s6 =	sadd.s32 @!p0 $0x88, s6;
	s7 =	simm.s32 @p2 $0x1082  }
0x22: {  	[simem:s7], [sflag:s8] =	dma.local @!p0 [hbm:s6], $0xF7A  }
0x23: {  	s9 =	sor.u32 $0xD0000000, s2;
	s6 =	simm.s32 $0x108;
	_ =	swait.ge @!p0 [sflag:s8], $0x0  }
0x24: {  	s3 =	sadd.s32 $0x88, s3;
	s6 =	simm.s32 @!p1 $0x1082;
	[sflag:s4] =	ssyncset.s32 $0xFFFFF086  }
0x25: {  	[simem:s6], [sflag:s4] =	dma.local [hbm:s3], $0xF7A  }
0x26: {  	[smem:$0x3F99] =	sst s1;
	(tag) =	ssettag s2;
	_ =	strace s9  }
0x27: {  	s1 =	sld [smem:$0x3FA9]  }
0x28: {  	s2 =	sld [smem:$0x3FAA]  }
0x29: {  	s4 =	sld [smem:$0x3FAC]  }
0x2a: {  	p0 =	seq.s32 s5, $0x0;
	s5 =	sld [smem:$0x3FAD]  }
0x2b: {  	s6 =	sld [smem:$0x3FAE]  }
0x2c: {  	s7 =	sld [smem:$0x3FAF]  }
0x2d: {  	s3 =	simm.s32 $0x108;
	s8 =	sld [smem:$0x3FB0]  }
0x2e: {  	s3 =	simm.s32 @!p0 $0x1082;
	s9 =	sld [smem:$0x3FB1]  }
0x2f: {  	lr =	sadd.s32 s0, s3;
	s0 =	sld [smem:$0x3FA8]  }
0x30: {  	s3 =	sld [smem:$0x3FAB]  }
0x31: {  	[smem:$0x3FB4] =	sst s10  }
0x32: {  	s10 =	sld [smem:$0x3FB2];
	_ =	sdelay $0x3  }
0x33: {  	p0 =	seq.s32 s10, $0x1;
	s10 =	sld [smem:$0x3FB4];
	_ =	sdelay $0x3  }
0x34: {  	[smem:$0x3FB4] =	sst s10  }
0x35: {  	s10 =	sld [smem:$0x3FB3];
	_ =	sdelay $0x3  }
0x36: {  	p1 =	seq.s32 s10, $0x1;
	s10 =	sld [smem:$0x3FB4];
	_ =	sdelay $0x3  }
0x37: {  	[smem:$0x3FB4] =	sst s10  }
0x38: {  	s10 =	sld [smem:$0x3FB5]  }
0x39: {  	_ = 	snop;
	(pc) =	sbr.ind lr, $3  }
0x3a: {  	_ = 	snop  }
0x3b: {  	_ = 	snop  }
0x3c: {  	p2 =	seq.s32 s10, $0x1;
	s10 =	sld [smem:$0x3FB4]  }
0x3d: {  	_ =	shalt  }
0x3e: {  	_ =	shalt  }
0x3f: {  	_ =	shalt  }
0x40: {  	_ =	shalt  }
0x41: {  	_ =	shalt  }
0x42: {  	_ =	shalt  }
0x43: {  	_ =	shalt  }
0x44: {  	_ =	shalt  }
0x45: {  	_ =	shalt  }
0x46: {  	_ =	shalt  }
0x47: {  	_ =	shalt  }
0x48: {  	_ =	shalt  }
0x49: {  	_ =	shalt  }
0x4a: {  	_ =	shalt  }
0x4b: {  	_ =	shalt  }
0x4c: {  	_ =	shalt  }
0x4d: {  	_ =	shalt  }
0x4e: {  	_ =	shalt  }
0x4f: {  	_ =	shalt  }
0x50: {  	_ =	shalt  }
0x51: {  	_ =	shalt  }
0x52: {  	_ =	shalt  }
0x53: {  	_ =	shalt  }
0x54: {  	_ =	shalt  }
0x55: {  	_ =	shalt  }
0x56: {  	_ =	shalt  }
0x57: {  	_ =	shalt  }
0x58: {  	_ =	shalt  }
0x59: {  	_ =	shalt  }
0x5a: {  	_ =	shalt  }
0x5b: {  	_ =	shalt  }
0x5c: {  	_ =	shalt  }
0x5d: {  	_ =	shalt  }
0x5e: {  	_ =	shalt  }
0x5f: {  	_ =	shalt  }
0x60: {  	_ =	shalt  }
0x61: {  	_ =	shalt  }
0x62: {  	_ =	shalt  }
0x63: {  	_ =	shalt  }
0x64: {  	_ =	shalt  }
0x65: {  	_ =	shalt  }
0x66: {  	_ =	shalt  }
0x67: {  	_ =	shalt  }
0x68: {  	_ =	shalt  }
0x69: {  	_ =	shalt  }
0x6a: {  	_ =	shalt  }
0x6b: {  	_ =	shalt  }
0x6c: {  	_ =	shalt  }
0x6d: {  	_ =	shalt  }
0x6e: {  	_ =	shalt  }
0x6f: {  	_ =	shalt  }
0x70: {  	_ =	shalt  }
0x71: {  	_ =	shalt  }
0x72: {  	_ =	shalt  }
0x73: {  	_ =	shalt  }
0x74: {  	_ =	shalt  }
0x75: {  	_ =	shalt  }
0x76: {  	_ =	shalt  }
0x77: {  	_ =	shalt  }
0x78: {  	_ =	shalt  }
0x79: {  	_ =	shalt  }
0x7a: {  	_ =	shalt  }
0x7b: {  	_ =	shalt  }
0x7c: {  	_ =	shalt  }
0x7d: {  	_ =	shalt  }
0x7e: {  	_ =	shalt  }
0x7f: {  	_ =	shalt  }
0x80: {  	_ =	shalt  }
0x81: {  	_ =	shalt  }
0x82: {  	_ =	shalt  }
0x83: {  	_ =	shalt  }
0x84: {  	_ =	shalt  }
0x85: {  	_ =	shalt  }
0x86: {  	_ =	shalt  }
0x87: {  	_ =	shalt  }
.Lfunc_end0:
.L_simem_size_0:
called_computation_lowered:
.L_overlay_start_0:
0x88: {  	s2 =	sld [smem:$0x3FD9]  }
0x89: {  	s3 =	sld [smem:$0x3FFE];
	_ =	sdelay $0x1  }
0x8a: {  	s1 =	srdreg.scid  }
0x8b: {  	s0 =	sand.u32 $0x1, s1  }
0x8c: {  	s17 =	sshll.u32 s0, $0xA;
	s2 =	sadd.s32 s3, s2  }
0x8d: {  	s2 =	sadd.s32 s2, s17  }
0x8e: {  	[smem:$0x3FC0] =	sst s2  }
0x8f: {  	_ = 	snop  }
0x90: {  	s2 =	sld [smem:$0x3FC9]  }
0x91: {  	s18 =	sld [smem:$0x3FC8]  }
0x92: {  	s4 =	sld [smem:$0x3FC7]  }
0x93: {  	s5 =	sld [smem:$0x3FC6]  }
0x94: {  	s6 =	sld [smem:$0x3FD0];
	(tm) =	ssettm $0x1  }
0x95: {  	s7 =	sld [smem:$0x3FFB];
	_ =	sdelay $0x3  }
0x96: {  	_ =	strace s7  }
0x97: {  	s7 =	sld [smem:$0x3FFC];
	_ =	sdelay $0x3  }
0x98: {  	_ =	strace s7  }
0x99: {  	s7 =	sld [smem:$0x3FFD];
	_ =	sdelay $0x3  }
0x9a: {  	_ =	strace s7  }
0x9b: {  	_ =	strace $0x8FFFFFFF  }
0x9c: {  	s19 =	sld [smem:$0x3FDB];
	_ =	sdelay $0x1  }
0x9d: {  	s8 =	simm.s32 $_scs_section_size  }
0x9e: {  	s9 =	simm.s32 $_size__tile_overlayer_lowered;
	s10 =	simm.s32 $_tile_overlayer_lowered  }
0x9f: {  	s22 =	simm.s32 $0x1BFF;
	s21 =	sshll.u32 s10, $0x1;
	s7 =	sadd.s32 s8, s19  }
0xa0: {  	s11 =	simm.s32 $0x0;
	s20 =	sshll.u32 s9, $0x1;
	s9 =	sadd.s32 s21, s7  }
0xa1: {  	[timem:s11], [sflag:s22] =	dma.local [hbm:s9], s20  }
0xa2: {  	_ =	swait.ge [sflag:s22], s20  }
0xa3: {  	s8 =	ssub.s32 $0x0, s20;
	[sflag:s22] =	ssyncset.done $0x0  }
0xa4: {  	[sflag:s22] =	ssyncadd.s32 s8;
	_ =	sdelay $0x1  }
0xa5: {  	s23 =	simm.s32 $0x1B8B  }
0xa6: {  	_ =	swait.ge [sflag:s23], $0x1  }
0xa7: {  	[sflag:s23] =	ssyncset.done $0x0  }
0xa8: {  	s25 =	simm.s32 $0x1B8E;
	s24 =	sld [smem:$0x3FFE];
	[sflag:s23] =	ssyncadd.s32 $0xFFFFFFFF  }
0xa9: {  	s26 =	simm.s32 $execute0_lowered;
	[smem:$0x3FD2] =	sst s25  }
0xaa: {  	s9 =	sshll.u32 s26, $0x1;
	_ =	strace $0x80000046;
	[dreg:$0x1] =	wrdreg $0xFFFFFFFF  }
0xab: {  	s28 =	simm.s32 $_size_execute0_lowered;
	s7 =	sadd.s32 s7, s9;
	[dreg:$0x0] =	wrdreg $0x0  }
0xac: {  	s9 =	sshll.u32 s28, $0x1;
	[dreg:$0x2] =	wrdreg s7  }
0xad: {  	[dreg:$0x3] =	wrdreg s9  }
0xae: {  	[dreg:$0x4] =	wrdreg $0xC0  }
0xaf: {  	_ =	task [dreg:s11], $0x5FFFF  }
0xb0: {  	[dreg:$0x1] =	wrdreg $0xFFFFFFFF  }
0xb1: {  	[dreg:$0x0] =	wrdreg $0x60  }
0xb2: {  	[dreg:$0x2] =	wrdreg s2  }
0xb3: {  	[dreg:$0x3] =	wrdreg s18  }
0xb4: {  	[dreg:$0x4] =	wrdreg s4  }
0xb5: {  	[dreg:$0x5] =	wrdreg s5  }
0xb6: {  	[dreg:$0x6] =	wrdreg s24  }
0xb7: {  	[dreg:$0x7] =	wrdreg s6  }
0xb8: {  	[dreg:$0x8] =	wrdreg $0x9  }
0xb9: {  	_ =	task.clear_ibuf [dreg:s11], $0x9FFFF;
	_ =	strace $0x90000046  }
0xba: {  	s29 =	simm.s32 $0x9;
	_ =	strace $0x80000048  }
0xbb: {  	_ =	swait.ge [sflag:s29], $0x1  }
0xbc: {  	[sflag:s29] =	ssyncadd.s32 $0xFFFFFFFF  }
0xbd: {  	_ =	strace $0x90000048  }
0xbe: {  	_ =	sfence  }
0xbf: {  	s30 =	sld [smem:$0x0];
	_ =	sdelay $0x2  }
0xc0: {  	s31 =	sshll.u32 s1, $0xD;
	s1 =	sshrl.u32 s1, $0x2  }
0xc1: {  	s3 =	sand.u32 $0x4000, s31;
	s1 =	sadd.s32 s1, s30  }
0xc2: {  	s0 =	sor.u32 s3, s0;
	s1 =	sshll.u32 s1, $0x11  }
0xc3: {  	s0 =	sor.u32 s1, s0  }
0xc4: {  	s0 =	sadd.s32 $0x8F2B, s0  }
0xc5: {  	[sflag:s0] =	ssyncadd.remote.s32 $0x1  }
0xc6: {  	_ =	sfence.sel $0xFFFF  }
0xc7: {  	[dreg:$0x0] =	wrdreg $0xFFFFFFFF;
	(pc) =	sbr.abs _section_cstart, $3  }
0xc8: {  	[dreg:$0x1] =	wrdreg $0xFFFFFFFF  }
0xc9: {  	_ =	task.clear_ibuf [dreg:s11], $0x2FFFF;
	_ =	strace $0x9FFFFFFF  }
0xca: {  	(tm) =	ssettm $0x7FFFFFFF  }
0xcb: {  	_ =	shalt  }
tec
execute0_lowered:
.L_overlay_start_1:
0x0: {  	(tag) =	ssettag $0x1  }
0x1: {  	s0 =	rddreg [dreg:$0x0]  }
0x2: {  	s2 =	rddreg [dreg:$0x1]  }
0x3: {  	s10 =	rddreg [dreg:$0x2]  }
0x4: {  	s11 =	rddreg [dreg:$0x3]  }
0x5: {  	s7 =	rddreg [dreg:$0x4]  }
0x6: {  	s12 =	rddreg [dreg:$0x5];
	s1 =	simm.s32 $0x0;
	s4 =	srdreg.scid  }
0x7: {  	s5 =	stileid.u32;
	s16 =	simm.s32 $0x400;
	s17 =	simm.s32 $0x600  }
0x8: {  	s18 =	simm.s32 $0x800;
	s19 =	simm.s32 $0x80;
	s20 =	simm.s32 $0xBF0  }
0x9: {  	s21 =	simm.s32 $0x8BF0;
	s30 =	simm.s32 $0xCBF0;
	s22 =	simm.s32 $0xEBF0  }
0xa: {  	s23 =	simm.s32 $0x780;
	s24 =	simm.s32 $0xFBF0;
	s25 =	simm.s32 $0x1  }
0xb: {  	s28 =	simm.s32 $0x20;
	s29 =	simm.s32 $0x0;
	[smem:$0x7FF] =	sst s1  }
0xc: {  	s3 =	sadd.s32 $0xF43600, s7;
	s6 =	sand.u32 $0x1, s4;
	s4 =	sadd.s32 $0x187C00, s7  }
0xd: {  	s8 =	sshll.u32 s5, $0xA;
	s5 =	sadd.s32 $0x2000, s7;
	_ =	strace $0x80000047  }
0xe: {  	s9 =	sshll.u32 s6, $0x9;
	s13 =	ssub.s32 $0x2, s6;
	s6 =	sadd.s32 $0x1000, s7  }
0xf: {  	s7 =	sadd.s32 $0x3000, s7;
	s14 =	sor.u32 s9, s8;
	s26 =	sshrl.u32 s13, $0x1  }
0x10: {  	s15 =	sshrl.u32 s14, $0x3;
	s13 =	ssub.s32 s13, s26;
	s31 =	sshll.u32 s14, $0x4  }
0x11: {  	s14 =	simm.s32 $0x2;
	s26 =	simm.s32 $0x4BF0;
	s8 =	sadd.s32 s0, s15  }
0x12: {  	s9 =	sadd.s32 s2, s15;
	s10 =	sadd.s32 s10, s15;
	s11 =	sadd.s32 s11, s15  }
0x13: {  	s12 =	sadd.s32 s12, s31;
	s13 =	smax.u32 s13, $0x1;
	s15 =	simm.s32 $0x200  }
.LBB2_1:
0x14: {  	[tilespmem:s1], [sflag:$0x2] =	stream.linear.gather [hbm4b:s8+s1], $0x200, $0x38;
	[tilespmem:$0x10BF0] =	vst v63  }
0x15: {  	_ =	swait.ge [sflag:s14], $0x200  }
0x16: {  	[sflag:s14] =	ssyncset.done $0x0  }
0x17: {  	[sflag:s14] =	ssyncadd.s32 $0xFFFFFE00  }
0x18: {  	[tilespmem:s15], [sflag:$0x2] =	stream.linear.gather [hbm4b:s9+s1], $0x200, $0x38;
	[tilespmem:$0x10BF0] =	vst v63  }
0x19: {  	_ =	swait.ge [sflag:s14], $0x200  }
0x1a: {  	[sflag:s14] =	ssyncset.done $0x0  }
0x1b: {  	[sflag:s14] =	ssyncadd.s32 $0xFFFFFE00  }
0x1c: {  	[tilespmem:s16], [sflag:$0x2] =	stream.linear.gather [hbm4b:s10+s1], $0x200, $0x38;
	[tilespmem:$0x10BF0] =	vst v63  }
0x1d: {  	_ =	swait.ge [sflag:s14], $0x200  }
0x1e: {  	[sflag:s14] =	ssyncset.done $0x0  }
0x1f: {  	[sflag:s14] =	ssyncadd.s32 $0xFFFFFE00  }
0x20: {  	[tilespmem:s17], [sflag:$0x2] =	stream.linear.gather [hbm4b:s11+s1], $0x200, $0x38;
	[tilespmem:$0x10BF0] =	vst v63  }
0x21: {  	_ =	swait.ge [sflag:s14], $0x200  }
0x22: {  	[sflag:s14] =	ssyncset.done $0x0  }
0x23: {  	[sflag:s14] =	ssyncadd.s32 $0xFFFFFE00  }
0x24: {  	[tilespmem:s18], [sflag:$0x2] =	stream.linear.gather [hbm4b:s7+s1], $0x3F0, $0x38;
	[tilespmem:$0x10BF0] =	vst v63  }
0x25: {  	_ =	swait.ge [sflag:s14], $0x3F0  }
0x26: {  	[sflag:s14] =	ssyncset.done $0x0  }
0x27: {  	s31 =	simm.s32 $0x0;
	[sflag:s14] =	ssyncadd.s32 $0xFFFFFC10  }
0x28: {  	v0 =	vld [tilespmem:s31+$0x0]  }
0x29: {  	v1 =	vld [tilespmem:s31+$0x200]  }
0x2a: {  	v2 =	vld [tilespmem:s31+$0x400];
	_ =	sdelay $0x2  }
0x2b: {  	v0 =	vadd.s32 $0x1, v0  }
0x2c: {  	v62 =	vadd.s32 $0x1, v1;
	[tilespmem:s31+$0x0] =	vst v0  }
0x2d: {  	v63 =	vadd.s32 $0x1, v2;
	[tilespmem:s31+$0x200] =	vst v62  }
0x2e: {  	s0 =	simm.s32 $0x40;
	[tilespmem:s31+$0x400] =	vst v63  }
.LBB2_2:
0x2f: {  	p0 =	sne.s32 s0, $0x7C0;
	v0 =	vld [tilespmem:s31+$0x600];
	_ =	sdelay $0x4  }
0x30: {  	v0 =	vcvt.s32.f32 v0;
	_ =	sdelay $0x1  }
0x31: {  	v1 =	vmul.f32 $9.990000080e-07, v0;
	_ =	sdelay $0x1  }
0x32: {  	v1 =	vtrunc.f32 v1  }
0x33: {  	v1 =	vcvt.f32.s32 v1;
	_ =	sdelay $0x1  }
0x34: {  	s2 =	sshra.s32 s0, $0x2;
	v2 =	vadd.s32 $0x1, v1;
	v3 =	vadd.s32 $0x2, v1  }
0x35: {  	v4 =	vld [tilespmem:s2+$0x0]  }
0x36: {  	v5 =	vld [tilespmem:s2+$0x200]  }
0x37: {  	v6 =	vld [tilespmem:s2+$0x400];
	_ =	sdelay $0x1  }
0x38: {  	v7 =	vld.idx.msk [tilespmem:v2+s18+$0x0], $0xffff  }
0x39: {  	v4 =	vadd.s32 $0x1, v4;
	v8 =	vld.idx.msk [tilespmem:v1+s18+$0x0], $0xffff  }
0x3a: {  	[tilespmem:s2+$0x0] =	vst v4;
	v4 =	vadd.s32 $0x1, v5  }
0x3b: {  	[tilespmem:s2+$0x200] =	vst v4;
	v4 =	vadd.s32 $0x1, v6  }
0x3c: {  	[tilespmem:s2+$0x400] =	vst v4  }
.Ltmp0:
0x3d: {  	(pc) =	sbr.rel @p0 .LBB2_2-.Ltmp0, $4  }
0x3e: {  	vm0 =	vle.f32 v7, v0  }
0x3f: {  	vm1 =	vgt.f32 v8, v0;
	v0 =	vsel vm0, v3, v2  }
0x40: {  	v0 =	vsel vm1, v1, v0  }
0x41: {  	s0 =	sadd.s32 $0x40, s0;
	[tilespmem:s31+$0x600] =	vst v0;
	s31 =	smov.u32 s2  }
0x42: {  	v0 =	vld [tilespmem:s31+$0x600];
	_ =	sdelay $0x4  }
0x43: {  	v0 =	vcvt.s32.f32 v0;
	_ =	sdelay $0x1  }
0x44: {  	v1 =	vmul.f32 $9.990000080e-07, v0;
	_ =	sdelay $0x1  }
0x45: {  	v1 =	vtrunc.f32 v1  }
0x46: {  	v1 =	vcvt.f32.s32 v1;
	_ =	sdelay $0x1  }
0x47: {  	v2 =	vadd.s32 $0x1, v1;
	_ =	sdelay $0x4  }
0x48: {  	v3 =	vld.idx.msk [tilespmem:v2+s18+$0x0], $0xffff  }
0x49: {  	v4 =	vld.idx.msk [tilespmem:v1+s18+$0x0], $0xffff;
	_ =	sdelay $0x3  }
0x4a: {  	v5 =	vadd.s32 $0x2, v1;
	vm0 =	vle.f32 v3, v0  }
0x4b: {  	vm1 =	vgt.f32 v4, v0;
	v63 =	vsel vm0, v5, v2  }
0x4c: {  	v0 =	vsel vm1, v1, v63  }
0x4d: {  	[tilespmem:s31+$0x600] =	vst v0  }
0x4e: {  	[tilespmem:s20], [sflag:$0x1] =	stream.indirect.gather [hbm4b:s3+s19], $0x20, s1, s19, $0xb8;
	[tilespmem:$0x10BF0] =	vst v63  }
0x4f: {  	s0 =	simm.s32 $0x1BF0  }
0x50: {  	[tilespmem:s0], [sflag:$0x1] =	stream.indirect.gather [hbm4b:s3+s19], $0x20, s19, s19, $0xb8;
	[tilespmem:$0x10BF0] =	vst v63  }
0x51: {  	s2 =	simm.s32 $0x2BF0;
	s31 =	simm.s32 $0x100  }
0x52: {  	[tilespmem:s2], [sflag:$0x1] =	stream.indirect.gather [hbm4b:s3+s19], $0x20, s31, s19, $0xb8;
	[tilespmem:$0x10BF0] =	vst v63  }
0x53: {  	s2 =	simm.s32 $0x180;
	s31 =	simm.s32 $0x3BF0  }
0x54: {  	[tilespmem:s31], [sflag:$0x1] =	stream.indirect.gather [hbm4b:s3+s19], $0x20, s2, s19, $0xb8;
	[tilespmem:$0x10BF0] =	vst v63  }
0x55: {  	_ = 	snop  }
0x56: {  	[tilespmem:s26], [sflag:$0x1] =	stream.indirect.gather [hbm4b:s4+s19], $0x20, s15, s19, $0xb8;
	[tilespmem:$0x10BF0] =	vst v63  }
0x57: {  	s2 =	simm.s32 $0x280;
	s31 =	simm.s32 $0x5BF0  }
0x58: {  	[tilespmem:s31], [sflag:$0x1] =	stream.indirect.gather [hbm4b:s4+s19], $0x20, s2, s19, $0xb8;
	[tilespmem:$0x10BF0] =	vst v63  }
0x59: {  	s2 =	simm.s32 $0x300;
	s31 =	simm.s32 $0x6BF0  }
0x5a: {  	[tilespmem:s31], [sflag:$0x1] =	stream.indirect.gather [hbm4b:s4+s19], $0x20, s2, s19, $0xb8;
	[tilespmem:$0x10BF0] =	vst v63  }
0x5b: {  	s2 =	simm.s32 $0x380;
	s31 =	simm.s32 $0x7BF0  }
0x5c: {  	[tilespmem:s31], [sflag:$0x1] =	stream.indirect.gather [hbm4b:s4+s19], $0x20, s2, s19, $0xb8;
	[tilespmem:$0x10BF0] =	vst v63  }
0x5d: {  	_ = 	snop  }
0x5e: {  	[tilespmem:s21], [sflag:$0x1] =	stream.indirect.gather [hbm4b:s5+s19], $0x20, s16, s19, $0xb8;
	[tilespmem:$0x10BF0] =	vst v63  }
0x5f: {  	s2 =	simm.s32 $0x480;
	s31 =	simm.s32 $0x9BF0  }
0x60: {  	[tilespmem:s31], [sflag:$0x1] =	stream.indirect.gather [hbm4b:s5+s19], $0x20, s2, s19, $0xb8;
	[tilespmem:$0x10BF0] =	vst v63  }
0x61: {  	s2 =	simm.s32 $0x500;
	s31 =	simm.s32 $0xABF0  }
0x62: {  	[tilespmem:s31], [sflag:$0x1] =	stream.indirect.gather [hbm4b:s5+s19], $0x20, s2, s19, $0xb8;
	[tilespmem:$0x10BF0] =	vst v63  }
0x63: {  	s2 =	simm.s32 $0x580;
	s31 =	simm.s32 $0xBBF0  }
0x64: {  	[tilespmem:s31], [sflag:$0x1] =	stream.indirect.gather [hbm4b:s5+s19], $0x20, s2, s19, $0xb8;
	[tilespmem:$0x10BF0] =	vst v63  }
0x65: {  	_ = 	snop  }
0x66: {  	[tilespmem:s30], [sflag:$0x1] =	stream.indirect.gather [hbm4b:s6+s19], $0x20, s17, s19, $0xb8;
	[tilespmem:$0x10BF0] =	vst v63  }
0x67: {  	s2 =	simm.s32 $0x680;
	s31 =	simm.s32 $0xDBF0  }
0x68: {  	[tilespmem:s31], [sflag:$0x1] =	stream.indirect.gather [hbm4b:s6+s19], $0x20, s2, s19, $0xb8;
	[tilespmem:$0x10BF0] =	vst v63  }
0x69: {  	s2 =	simm.s32 $0x700  }
0x6a: {  	[tilespmem:s22], [sflag:$0x1] =	stream.indirect.gather [hbm4b:s6+s19], $0x20, s2, s19, $0xb8;
	[tilespmem:$0x10BF0] =	vst v63  }
0x6b: {  	_ = 	snop  }
0x6c: {  	[tilespmem:s24], [sflag:$0x1] =	stream.indirect.gather [hbm4b:s6+s19], $0x20, s23, s19, $0xb8;
	[tilespmem:$0x10BF0] =	vst v63  }
0x6d: {  	_ =	swait.ge [sflag:s25], $0x1000  }
0x6e: {  	[sflag:s25] =	ssyncset.done $0x0  }
0x6f: {  	[sflag:s25] =	ssyncadd.s32 $0xFFFFF000  }
0x70: {  	_ =	swait.ge [sflag:s25], $0x1000  }
0x71: {  	[sflag:s25] =	ssyncset.done $0x0  }
0x72: {  	[sflag:s25] =	ssyncadd.s32 $0xFFFFF000  }
0x73: {  	_ =	swait.ge [sflag:s25], $0x1000  }
0x74: {  	[sflag:s25] =	ssyncset.done $0x0  }
0x75: {  	[sflag:s25] =	ssyncadd.s32 $0xFFFFF000  }
0x76: {  	_ =	swait.ge [sflag:s25], $0x1000  }
0x77: {  	[sflag:s25] =	ssyncset.done $0x0  }
0x78: {  	[sflag:s25] =	ssyncadd.s32 $0xFFFFF000  }
0x79: {  	_ =	swait.ge [sflag:s25], $0x1000  }
0x7a: {  	[sflag:s25] =	ssyncset.done $0x0  }
0x7b: {  	[sflag:s25] =	ssyncadd.s32 $0xFFFFF000  }
0x7c: {  	_ =	swait.ge [sflag:s25], $0x1000  }
0x7d: {  	[sflag:s25] =	ssyncset.done $0x0  }
0x7e: {  	[sflag:s25] =	ssyncadd.s32 $0xFFFFF000  }
0x7f: {  	_ =	swait.ge [sflag:s25], $0x1000  }
0x80: {  	[sflag:s25] =	ssyncset.done $0x0  }
0x81: {  	[sflag:s25] =	ssyncadd.s32 $0xFFFFF000  }
0x82: {  	_ =	swait.ge [sflag:s25], $0x1000  }
0x83: {  	[sflag:s25] =	ssyncset.done $0x0  }
0x84: {  	[sflag:s25] =	ssyncadd.s32 $0xFFFFF000  }
0x85: {  	_ =	swait.ge [sflag:s25], $0x1000  }
0x86: {  	[sflag:s25] =	ssyncset.done $0x0  }
0x87: {  	[sflag:s25] =	ssyncadd.s32 $0xFFFFF000  }
0x88: {  	_ =	swait.ge [sflag:s25], $0x1000  }
0x89: {  	[sflag:s25] =	ssyncset.done $0x0  }
0x8a: {  	[sflag:s25] =	ssyncadd.s32 $0xFFFFF000  }
0x8b: {  	_ =	swait.ge [sflag:s25], $0x1000  }
0x8c: {  	[sflag:s25] =	ssyncset.done $0x0  }
0x8d: {  	[sflag:s25] =	ssyncadd.s32 $0xFFFFF000  }
0x8e: {  	_ =	swait.ge [sflag:s25], $0x1000  }
0x8f: {  	[sflag:s25] =	ssyncset.done $0x0  }
0x90: {  	[sflag:s25] =	ssyncadd.s32 $0xFFFFF000  }
0x91: {  	_ =	swait.ge [sflag:s25], $0x1000  }
0x92: {  	[sflag:s25] =	ssyncset.done $0x0  }
0x93: {  	[sflag:s25] =	ssyncadd.s32 $0xFFFFF000  }
0x94: {  	_ =	swait.ge [sflag:s25], $0x1000  }
0x95: {  	[sflag:s25] =	ssyncset.done $0x0  }
0x96: {  	[sflag:s25] =	ssyncadd.s32 $0xFFFFF000  }
0x97: {  	_ =	swait.ge [sflag:s25], $0x1000  }
0x98: {  	[sflag:s25] =	ssyncset.done $0x0  }
0x99: {  	[sflag:s25] =	ssyncadd.s32 $0xFFFFF000  }
0x9a: {  	_ =	swait.ge [sflag:s25], $0x1000  }
0x9b: {  	[sflag:s25] =	ssyncset.done $0x0  }
0x9c: {  	[sflag:s25] =	ssyncadd.s32 $0xFFFFF000  }
0x9d: {  	[hbm4b:s12+s28] =	stream.strided.scatter [tilespmem:s20], [sflag:$0x2], $0x4000, s19, s28, $0x38;
	[tilespmem:$0x10BF0] =	vst v63  }
0x9e: {  	_ =	swait.ge [sflag:s14], $0x4000  }
0x9f: {  	[sflag:s14] =	ssyncset.done $0x0  }
0xa0: {  	s31 =	sadd.s32 $0x4, s12;
	[sflag:s14] =	ssyncadd.s32 $0xFFFFC000  }
0xa1: {  	[hbm4b:s31+s28] =	stream.strided.scatter [tilespmem:s26], [sflag:$0x2], $0x4000, s19, s28, $0x38;
	[tilespmem:$0x10BF0] =	vst v63  }
0xa2: {  	_ =	swait.ge [sflag:s14], $0x4000  }
0xa3: {  	[sflag:s14] =	ssyncset.done $0x0  }
0xa4: {  	s2 =	sadd.s32 $0x8, s12;
	[sflag:s14] =	ssyncadd.s32 $0xFFFFC000  }
0xa5: {  	[hbm4b:s2+s28] =	stream.strided.scatter [tilespmem:s21], [sflag:$0x2], $0x4000, s19, s28, $0x38;
	[tilespmem:$0x10BF0] =	vst v63  }
0xa6: {  	s29 =	sadd.s32 $0x1, s29;
	_ =	swait.ge [sflag:s14], $0x4000  }
0xa7: {  	p0 =	sne.s32 s29, s13;
	[sflag:s14] =	ssyncset.done $0x0  }
.Ltmp1:
0xa8: {  	s31 =	sadd.s32 $0xC, s12;
	[sflag:s14] =	ssyncadd.s32 $0xFFFFC000;
	(pc) =	sbr.rel @p0 .LBB2_1-.Ltmp1, $4  }
0xa9: {  	[hbm4b:s31+s28] =	stream.strided.scatter [tilespmem:s30], [sflag:$0x2], $0x4000, s19, s28, $0x38;
	[tilespmem:$0x10BF0] =	vst v63  }
0xaa: {  	_ =	swait.ge [sflag:s14], $0x4000  }
0xab: {  	[sflag:s14] =	ssyncset.done $0x0  }
0xac: {  	[sflag:s14] =	ssyncadd.s32 $0xFFFFC000  }
0xad: {  	_ =	sfence.sel $0x180000  }
0xae: {  	[bflag:$0x0] =	sbarrier.arrive $0xFFFF  }
0xaf: {  	_ =	strace $0x90000047  }
0xb0: {  	s0 =	stileid.u32;
	[bflag:$0x2] =	sbarrier.arrive $0xFFFF  }
0xb1: {  	p0 =	sne.s32 s0, $0x0;
	s0 =	rddreg [dreg:$0x6]  }
0xb2: {  	s0 =	sadd.s32 @!p0 $0x100000, s0  }
0xb3: {  	[sflag:s0] =	ssyncadd.tile.s32 @!p0 $0x1;
	_ =	shalt  }
.Lfunc_end2:
_tile_overlayer_lowered:
.L_overlay_start_2:
0xb4: {  	(tag) =	ssettag $0x2  }
0xb5: {  	s0 =	rddreg [dreg:$0x0];
	s2 =	stileid.u32  }
0xb6: {  	s1 =	rddreg [dreg:$0x1];
	p0 =	sne.s32 s2, $0x0  }
0xb7: {  	s3 =	rddreg [dreg:$0x2];
	[bflag:$0x3] =	sbarrier.arrive $0xFFFF;
	s2 =	simm.s32 @!p0 $0x1C02  }
0xb8: {  	[timem:s3], [sflag:s2] =	dma.local @!p0 [hbm:s0], s1  }
0xb9: {  	s0 =	simm.s32 @!p0 $0x2  }
0xba: {  	_ =	swait.ge @!p0 [sflag:s0], s1  }
0xbb: {  	s1 =	ssub.s32 @!p0 $0x0, s1;
	[sflag:s0] =	ssyncset.done @!p0 $0x0  }
0xbc: {  	[sflag:s0] =	ssyncadd.s32 @!p0 s1  }
0xbd: {  	[bflag:$0x3] =	sbarrier.arrive $0xFFFF  }
0xbe: {  	_ =	shalt  }

</sc_bundles>
